<compile_context>
chip_gen: v7x
topology: tpu7x:2x2x1
jax: 0.10.2.dev20260603
libtpu: 0.0.44.dev20260713+nightly
codegen_flags: <defaults>
</compile_context>

<pallas_src>
import functools

import jax
import jax.numpy as jnp
from jax import lax
from jax.experimental import pallas as pl
from jax.experimental.pallas import tpu as pltpu
from jax.experimental.pallas import tpu_sc as plsc

B = 4096
L = 50
E = 64
NO = 10
VO = 10000
DD = 8
H1 = 80
H2 = 40
F1 = 256
F2 = 128
D_ALL = 2 * E + DD + NO * E

BB = 256
NB = B // BB
NC, NS = 2, 16
NW = NC * NS
CH = 128


def _sc_gather(seq_emb, idx_seq, idx_item, sp_flat, idx_sp):
    n_seq = idx_seq.shape[1]
    n_item = idx_item.shape[1]
    n_sp = idx_sp.shape[1]
    mesh = plsc.VectorSubcoreMesh(core_axis_name="c", subcore_axis_name="s")

    @functools.partial(
        pl.kernel,
        mesh=mesh,
        compiler_params=pltpu.CompilerParams(use_tc_tiling_on_sc=False),
        out_type=(
            jax.ShapeDtypeStruct((NW * n_seq * CH, E), jnp.float32),
            jax.ShapeDtypeStruct((NW * n_item * CH, E), jnp.float32),
            jax.ShapeDtypeStruct((NW * n_sp * CH, E), jnp.float32),
        ),
        scratch_types=[
            pltpu.VMEM((n_seq, CH), jnp.int32),
            pltpu.VMEM((10 * CH, E), jnp.float32),
            pltpu.SemaphoreType.DMA,
        ],
    )
    def k(seq_hbm, iseq_hbm, iitem_hbm, sp_hbm, isp_hbm,
          oseq, oitem, osp, idx_v, rows_v, sem):
        wid = lax.axis_index("s") * NC + lax.axis_index("c")

        def job(table, idx_hbm, out_hbm, nch, kk):
            pltpu.sync_copy(idx_hbm.at[wid], idx_v.at[pl.ds(0, nch)])
            nsup = nch // kk

            @pl.loop(0, nsup)
            def _(s):
                cps = []
                for t in range(kk):
                    cps.append(pltpu.async_copy(
                        table.at[idx_v.at[s * kk + t]],
                        rows_v.at[pl.ds(t * CH, CH)], sem))
                for c in cps:
                    c.wait()
                pltpu.sync_copy(
                    rows_v.at[pl.ds(0, kk * CH)],
                    out_hbm.at[pl.ds((wid * nch + s * kk) * CH, kk * CH)])

        job(seq_hbm, iseq_hbm, oseq, n_seq, 10)
        job(seq_hbm, iitem_hbm, oitem, n_item, 1)
        job(sp_hbm, isp_hbm, osp, n_sp, 10)

    return k(seq_emb, idx_seq, idx_item, sp_flat, idx_sp)


def _tc_body(kseq_ref, q_ref, dense_ref, sp_ref,
             wq_ref, wk_ref, wqk_ref, ba1_ref, wa2_ref, ba2_ref, waf_ref,
             w1u_ref, w1q_ref, w1d_ref, w1s_ref, bf1_ref, a1_ref,
             wf2_ref, bf2_ref, a2_ref, wo_ref, bo_ref, out_ref):
    f32 = jnp.float32
    kv = kseq_ref[...]
    q = q_ref[...]
    kf = kv.reshape(L * BB, E)
    p = (q[None, :, :] * kv).reshape(L * BB, E)
    hp = jnp.dot(kf, wk_ref[...], preferred_element_type=f32)
    hp = hp + jnp.dot(p, wqk_ref[...], preferred_element_type=f32)
    qw = jnp.dot(q, wq_ref[...], preferred_element_type=f32) + ba1_ref[...]

    def _sigmoid(v):
        return 0.5 * jnp.tanh(0.5 * v) + 0.5

    h1 = _sigmoid(hp.reshape(L, BB, H1) + qw[None, :, :])
    h1 = h1.reshape(L * BB, H1)
    h2 = _sigmoid(
        jnp.dot(h1, wa2_ref[...], preferred_element_type=f32) + ba2_ref[...])
    s = jnp.dot(h2, waf_ref[...], preferred_element_type=f32)
    ev = jnp.exp(s).reshape(L, BB, 1)
    z = jnp.sum(ev, axis=0)
    ui = jnp.sum(ev * kv, axis=0) / z
    x = (jnp.dot(ui, w1u_ref[...], preferred_element_type=f32)
         + jnp.dot(q, w1q_ref[...], preferred_element_type=f32)
         + jnp.dot(dense_ref[...], w1d_ref[...], preferred_element_type=f32)
         + jnp.dot(sp_ref[...], w1s_ref[...], preferred_element_type=f32)
         + bf1_ref[...])
    x = jnp.where(x >= 0, x, a1_ref[...] * x)
    x = jnp.dot(x, wf2_ref[...], preferred_element_type=f32) + bf2_ref[...]
    x = jnp.where(x >= 0, x, a2_ref[...] * x)
    o = jnp.dot(x, wo_ref[...], preferred_element_type=f32) + bo_ref[...]
    out_ref[...] = jax.nn.sigmoid(o)


def _tc_forward(kseq, item_e, dense_inputs, sp_cat, wq, wk, wqk, ba1, Wa2,
                ba2, Waf, w1u, w1q, w1d, w1s, bf1p, a1, Wf2, bf2, a2, Wo, bo):
    def full(a):
        return pl.BlockSpec(a.shape, lambda i: tuple(0 for _ in a.shape))

    weights = (wq, wk, wqk, ba1, Wa2, ba2, Waf,
               w1u, w1q, w1d, w1s, bf1p, a1, Wf2, bf2, a2, Wo, bo)
    in_specs = [
        pl.BlockSpec((L, BB, E), lambda i: (0, i, 0)),
        pl.BlockSpec((BB, E), lambda i: (i, 0)),
        pl.BlockSpec((BB, DD), lambda i: (i, 0)),
        pl.BlockSpec((BB, NO * E), lambda i: (i, 0)),
    ] + [full(a) for a in weights]
    return pl.pallas_call(
        _tc_body,
        grid=(NB,),
        in_specs=in_specs,
        out_specs=pl.BlockSpec((BB, 1), lambda i: (i, 0)),
        out_shape=jax.ShapeDtypeStruct((B, 1), jnp.float32),
    )(kseq, item_e, dense_inputs, sp_cat, *weights)


def kernel(dense_inputs, sparse_inputs, seq_inputs, item_inputs, sparse_emb,
           seq_emb, Wa1, ba1, Wa2, ba2, Waf, baf, gamma, beta, Wf1, bf1,
           alpha1, Wf2, bf2, alpha2, Wo, bo):
    idx_seq = seq_inputs[:, 0].T.reshape(NW, B * L // (NW * CH), CH)
    idx_item = item_inputs.reshape(NW, B // (NW * CH), CH)
    off = (jnp.arange(NO, dtype=jnp.int32) * VO)[None, :]
    idx_sp = (sparse_inputs + off).reshape(NW, B * NO // (NW * CH), CH)
    sp_flat = sparse_emb.reshape(NO * VO, E)

    kseq, item_e, sp_rows = _sc_gather(seq_emb, idx_seq, idx_item, sp_flat,
                                       idx_sp)
    kseq = kseq.reshape(L, B, E)
    sp_cat = sp_rows.reshape(B, NO * E)

    rsq = 1.0 / jnp.sqrt(jnp.float32(1.0 + 1e-3))
    scw = (gamma * rsq)[:, None] * Wf1
    bf1p = (bf1 + beta @ Wf1).reshape(1, F1)
    w1u = scw[0:E]
    w1q = scw[E:2 * E]
    w1d = scw[2 * E:2 * E + DD]
    w1s = scw[2 * E + DD:]
    wq = Wa1[0:E] + Wa1[2 * E:3 * E]
    wk = Wa1[E:2 * E] - Wa1[2 * E:3 * E]
    wqk = Wa1[3 * E:4 * E]

    return _tc_forward(kseq, item_e, dense_inputs, sp_cat, wq, wk, wqk,
                       ba1.reshape(1, H1), Wa2, ba2.reshape(1, H2), Waf,
                       w1u, w1q, w1d, w1s, bf1p, alpha1.reshape(1, F1),
                       Wf2, bf2.reshape(1, F2), alpha2.reshape(1, F2),
                       Wo, bo.reshape(1, 1))

# --- scband reference (transcript-rebuilt; emitter-appended) ---
"""Pipeline reference for scband-din-20349555049074 (READ-ONLY COPY).

The authoritative reference and input builder live on the scoring server;
editing this copy changes nothing except your own understanding.
"""

import jax, jax.numpy as jnp
import numpy as np

B = 4096; D_DENSE = 8; N_OTHER = 10; V_OTHER = 10000; V_ITEM = 100000; E = 64; L = 50
D_ALL = E + E + D_DENSE + N_OTHER * E

def setup_inputs(seed: int = 0):
    key = jax.random.key(seed)
    ks = jax.random.split(key, 16)
    inp = {}
    inp['dense_inputs'] = jax.random.normal(ks[0], (B, D_DENSE), dtype=jnp.float32)
    inp['sparse_inputs'] = jax.random.randint(ks[1], (B, N_OTHER), 0, V_OTHER, dtype=jnp.int32)
    inp['seq_inputs'] = jax.random.randint(ks[2], (B, 1, L), 0, V_ITEM, dtype=jnp.int32)
    inp['item_inputs'] = jax.random.randint(ks[3], (B, 1), 0, V_ITEM, dtype=jnp.int32)
    inp['sparse_emb'] = jax.random.normal(ks[4], (N_OTHER, V_OTHER, E), dtype=jnp.float32) * 0.05
    inp['seq_emb'] = jax.random.normal(ks[5], (V_ITEM, E), dtype=jnp.float32) * 0.05
    inp['Wa1'] = jax.random.normal(ks[6], (4 * E, 80), dtype=jnp.float32) * 0.06
    inp['ba1'] = jnp.zeros((80,), dtype=jnp.float32)
    inp['Wa2'] = jax.random.normal(ks[7], (80, 40), dtype=jnp.float32) * 0.1
    inp['ba2'] = jnp.zeros((40,), dtype=jnp.float32)
    inp['Waf'] = jax.random.normal(ks[8], (40, 1), dtype=jnp.float32) * 0.15
    inp['baf'] = jnp.zeros((1,), dtype=jnp.float32)
    inp['gamma'] = jnp.ones((D_ALL,), dtype=jnp.float32)
    inp['beta'] = jnp.zeros((D_ALL,), dtype=jnp.float32)
    inp['Wf1'] = jax.random.normal(ks[9], (D_ALL, 256), dtype=jnp.float32) * 0.03
    inp['bf1'] = jnp.zeros((256,), dtype=jnp.float32)
    inp['alpha1'] = jnp.full((256,), 0.25, dtype=jnp.float32)
    inp['Wf2'] = jax.random.normal(ks[10], (256, 128), dtype=jnp.float32) * 0.06
    inp['bf2'] = jnp.zeros((128,), dtype=jnp.float32)
    inp['alpha2'] = jnp.full((128,), 0.25, dtype=jnp.float32)
    inp['Wo'] = jax.random.normal(ks[11], (128, 1), dtype=jnp.float32) * 0.08
    inp['bo'] = jnp.zeros((1,), dtype=jnp.float32)
    return inp

def _prelu(x, a):
    return jnp.where(x >= 0, x, a * x)

def reference(dense_inputs, sparse_inputs, seq_inputs, item_inputs, sparse_emb, seq_emb, Wa1, ba1, Wa2, ba2, Waf, baf, gamma, beta, Wf1, bf1, alpha1, Wf2, bf2, alpha2, Wo, bo):
    other = [dense_inputs]
    for i in range(N_OTHER):
        other.append(jnp.take(sparse_emb[i], sparse_inputs[:, i], axis=0))
    other_info = jnp.concatenate(other, axis=-1)
    seq_embed = jnp.take(seq_emb, seq_inputs[:, 0], axis=0)          # (B, L, E)
    item_embed = jnp.take(seq_emb, item_inputs[:, 0], axis=0)        # (B, E)
    # DIN attention: tile query, concat [q, k, q-k, q*k], MLP -> scalar score per step
    q = jnp.broadcast_to(item_embed[:, None, :], seq_embed.shape)
    info = jnp.concatenate([q, seq_embed, q - seq_embed, q * seq_embed], axis=-1)  # (B, L, 4E)
    h = jax.nn.sigmoid(info @ Wa1 + ba1)
    h = jax.nn.sigmoid(h @ Wa2 + ba2)
    scores = (h @ Waf + baf)[..., 0]                                  # (B, L)
    w = jax.nn.softmax(scores, axis=-1)
    user_info = jnp.einsum('bl,bld->bd', w, seq_embed)                # (B, E)
    info_all = jnp.concatenate([user_info, item_embed, other_info], axis=-1)  # (B, D_ALL)
    # BatchNorm (inference stats: moving_mean=0, moving_var=1, eps=1e-3)
    x = gamma * (info_all / jnp.sqrt(1.0 + 1e-3)) + beta
    x = _prelu(x @ Wf1 + bf1, alpha1)
    x = _prelu(x @ Wf2 + bf2, alpha2)
    return jax.nn.sigmoid(x @ Wo + bo)

if __name__ == "__main__":
    import jax
    _d = setup_inputs()
    print(jax.jit(kernel)(*tuple(_d.values())))

</pallas_src>

<mosaic_0001>
#map = affine_map<(d0, d1) -> (0, 0)>
#map1 = affine_map<(d0, d1) -> (0, 0, 0)>
module attributes {stable_mosaic.version = 14 : i64} {
  func.func @k(%arg0: i32, %arg1: i32, %arg2: memref<100000x64xf32, #tpu.memory_space<hbm>>, %arg3: memref<32x50x128xi32, #tpu.memory_space<hbm>>, %arg4: memref<32x1x128xi32, #tpu.memory_space<hbm>>, %arg5: memref<100000x64xf32, #tpu.memory_space<hbm>>, %arg6: memref<32x10x128xi32, #tpu.memory_space<hbm>>, %arg7: memref<204800x64xf32, #tpu.memory_space<hbm>>, %arg8: memref<4096x64xf32, #tpu.memory_space<hbm>>, %arg9: memref<40960x64xf32, #tpu.memory_space<hbm>>, %arg10: memref<50x128xi32, #tpu.memory_space<vmem>>, %arg11: memref<1280x64xf32, #tpu.memory_space<vmem>>, %arg12: memref<!tpu.dma_semaphore, #tpu.memory_space<semaphore_mem>>) attributes {dimension_semantics = [#tpu.dimension_semantics<core_parallel>, #tpu.dimension_semantics<subcore_parallel>], iteration_bounds = array<i64: 2, 16>, scalar_prefetch = 0 : i64, scratch_operands = 3 : i64, tpu.core_type = #tpu.core_type<sc_vector_subcore>, window_params = [{transform_indices = #map}, {transform_indices = #map1}, {transform_indices = #map1}, {transform_indices = #map}, {transform_indices = #map1}, {transform_indices = #map}, {transform_indices = #map}, {transform_indices = #map}]} {
    %mul3A = arith.constant 2 : i32
    %mul3A_0 = arith.muli %arg1, %mul3A : i32
    %add3A = arith.addi %mul3A_0, %arg0 : i32
    "tpu.region"() ({
      %run_scoped3A = tpu.sem_alloc : memref<!tpu.dma_semaphore, #tpu.memory_space<semaphore_mem>>
      %dma_start3A_271 = arith.constant 0 : i32
      %dma_start3A_272 = arith.constant 0 : i32
      %dma_start3A_273 = tpu.memref_slice %arg10[%dma_start3A_271, %dma_start3A_272] : memref<50x128xi32, #tpu.memory_space<vmem>> -> memref<50x128xi32, #tpu.memory_space<vmem>>
      %dma_start3A_274 = arith.constant 0 : i32
      %dma_start3A_275 = arith.constant 0 : i32
      %dma_start3A_276 = tpu.memref_slice %arg3[%add3A, %dma_start3A_274, %dma_start3A_275] : memref<32x50x128xi32, #tpu.memory_space<hbm>> -> memref<1x50x128xi32, #tpu.memory_space<hbm>>
      %dma_start3A_277 = tpu.memref_squeeze %dma_start3A_276 : memref<1x50x128xi32, #tpu.memory_space<hbm>> -> memref<50x128xi32, #tpu.memory_space<hbm>>
      %dma_start3A_278 = arith.constant 0 : i32
      %dma_start3A_279 = arith.constant 0 : i32
      %dma_start3A_280 = tpu.memref_slice %arg10[%dma_start3A_278, %dma_start3A_279] : memref<50x128xi32, #tpu.memory_space<vmem>> -> memref<50x128xi32, #tpu.memory_space<vmem>>
      %dma_start3A_281 = arith.constant 0 : i32
      %dma_start3A_282 = arith.constant 0 : i32
      %dma_start3A_283 = tpu.memref_slice %arg3[%add3A, %dma_start3A_281, %dma_start3A_282] : memref<32x50x128xi32, #tpu.memory_space<hbm>> -> memref<1x50x128xi32, #tpu.memory_space<hbm>>
      %dma_start3A_284 = tpu.memref_squeeze %dma_start3A_283 : memref<1x50x128xi32, #tpu.memory_space<hbm>> -> memref<50x128xi32, #tpu.memory_space<hbm>>
      tpu.enqueue_dma source(%dma_start3A_284 : memref<50x128xi32, #tpu.memory_space<hbm>>) target(%dma_start3A_280 : memref<50x128xi32, #tpu.memory_space<vmem>>) target_semaphore(%run_scoped3A : memref<!tpu.dma_semaphore, #tpu.memory_space<semaphore_mem>>)
      %dma_wait3A_285 = arith.constant 0 : i32
      %dma_wait3A_286 = arith.constant 0 : i32
      %dma_wait3A_287 = tpu.memref_slice %arg10[%dma_wait3A_285, %dma_wait3A_286] : memref<50x128xi32, #tpu.memory_space<vmem>> -> memref<50x128xi32, #tpu.memory_space<vmem>>
      %dma_wait3A_288 = arith.constant 0 : i32
      %dma_wait3A_289 = arith.constant 0 : i32
      %dma_wait3A_290 = tpu.memref_slice %arg3[%add3A, %dma_wait3A_288, %dma_wait3A_289] : memref<32x50x128xi32, #tpu.memory_space<hbm>> -> memref<1x50x128xi32, #tpu.memory_space<hbm>>
      %dma_wait3A_291 = tpu.memref_squeeze %dma_wait3A_290 : memref<1x50x128xi32, #tpu.memory_space<hbm>> -> memref<50x128xi32, #tpu.memory_space<hbm>>
      %dma_wait3A_292 = arith.constant 0 : i32
      %dma_wait3A_293 = arith.constant 0 : i32
      %dma_wait3A_294 = tpu.memref_slice %arg10[%dma_wait3A_292, %dma_wait3A_293] : memref<50x128xi32, #tpu.memory_space<vmem>> -> memref<50x128xi32, #tpu.memory_space<vmem>>
      %dma_wait3A_295 = arith.constant 0 : i32
      %dma_wait3A_296 = arith.constant 0 : i32
      %dma_wait3A_297 = tpu.memref_slice %arg3[%add3A, %dma_wait3A_295, %dma_wait3A_296] : memref<32x50x128xi32, #tpu.memory_space<hbm>> -> memref<1x50x128xi32, #tpu.memory_space<hbm>>
      %dma_wait3A_298 = tpu.memref_squeeze %dma_wait3A_297 : memref<1x50x128xi32, #tpu.memory_space<hbm>> -> memref<50x128xi32, #tpu.memory_space<hbm>>
      tpu.wait_dma2 semaphore(%run_scoped3A : memref<!tpu.dma_semaphore, #tpu.memory_space<semaphore_mem>>) src(%dma_wait3A_298 : memref<50x128xi32, #tpu.memory_space<hbm>>) dst(%dma_wait3A_294 : memref<50x128xi32, #tpu.memory_space<vmem>>)
      tpu.yield
    }) : () -> ()
    %scan3A = arith.constant 0 : i32
    %scan3A_1 = arith.constant 5 : i32
    %scan3A_2 = arith.addi %scan3A, %scan3A_1 : i32
    %scan3A_3 = arith.constant 1 : i32
    scf.for %scan3A_271 = %scan3A to %scan3A_2 step %scan3A_3  : i32 {
      %mul3A_272 = arith.constant 1 : i32
      %mul3A_273 = arith.muli %scan3A_271, %mul3A_272 : i32
      %add3A_274 = arith.constant 0 : i32
      %add3A_275 = arith.addi %add3A_274, %mul3A_273 : i32
      %mul3A_276 = arith.constant 10 : i32
      %mul3A_277 = arith.muli %add3A_275, %mul3A_276 : i32
      %add3A_278 = arith.constant 0 : i32
      %add3A_279 = arith.addi %mul3A_277, %add3A_278 : i32
      %dma_start3A_280 = arith.constant 0 : i32
      %dma_start3A_281 = arith.constant 0 : i32
      %dma_start3A_282 = tpu.memref_slice %arg11[%dma_start3A_280, %dma_start3A_281] : memref<1280x64xf32, #tpu.memory_space<vmem>> -> memref<128x64xf32, #tpu.memory_space<vmem>>
      %dma_start3A_283 = arith.constant 0 : i32
      %dma_start3A_284 = tpu.memref_slice %arg10[%add3A_279, %dma_start3A_283] : memref<50x128xi32, #tpu.memory_space<vmem>> -> memref<1x128xi32, #tpu.memory_space<vmem>>
      %dma_start3A_285 = tpu.memref_squeeze %dma_start3A_284 : memref<1x128xi32, #tpu.memory_space<vmem>> -> memref<128xi32, #tpu.memory_space<vmem>>
      %dma_start3A_286 = arith.constant 0 : i32
      %dma_start3A_287 = arith.constant 0 : i32
      %dma_start3A_288 = tpu.memref_slice %arg2[%dma_start3A_286, %dma_start3A_287] : memref<100000x64xf32, #tpu.memory_space<hbm>> -> memref<100000x64xf32, #tpu.memory_space<hbm>>
      tpu.enqueue_indirect_dma source(%dma_start3A_288 : memref<100000x64xf32, #tpu.memory_space<hbm>>) target(%dma_start3A_282 : memref<128x64xf32, #tpu.memory_space<vmem>>) offsets(%dma_start3A_285 : memref<128xi32, #tpu.memory_space<vmem>>) semaphore(%arg12 : memref<!tpu.dma_semaphore, #tpu.memory_space<semaphore_mem>>)
      %mul3A_289 = arith.constant 10 : i32
      %mul3A_290 = arith.muli %add3A_275, %mul3A_289 : i32
      %add3A_291 = arith.constant 1 : i32
      %add3A_292 = arith.addi %mul3A_290, %add3A_291 : i32
      %dma_start3A_293 = arith.constant 128 : i32
      %dma_start3A_294 = arith.constant 0 : i32
      %dma_start3A_295 = tpu.memref_slice %arg11[%dma_start3A_293, %dma_start3A_294] : memref<1280x64xf32, #tpu.memory_space<vmem>> -> memref<128x64xf32, #tpu.memory_space<vmem>>
      %dma_start3A_296 = arith.constant 0 : i32
      %dma_start3A_297 = tpu.memref_slice %arg10[%add3A_292, %dma_start3A_296] : memref<50x128xi32, #tpu.memory_space<vmem>> -> memref<1x128xi32, #tpu.memory_space<vmem>>
      %dma_start3A_298 = tpu.memref_squeeze %dma_start3A_297 : memref<1x128xi32, #tpu.memory_space<vmem>> -> memref<128xi32, #tpu.memory_space<vmem>>
      %dma_start3A_299 = arith.constant 0 : i32
      %dma_start3A_300 = arith.constant 0 : i32
      %dma_start3A_301 = tpu.memref_slice %arg2[%dma_start3A_299, %dma_start3A_300] : memref<100000x64xf32, #tpu.memory_space<hbm>> -> memref<100000x64xf32, #tpu.memory_space<hbm>>
      tpu.enqueue_indirect_dma source(%dma_start3A_301 : memref<100000x64xf32, #tpu.memory_space<hbm>>) target(%dma_start3A_295 : memref<128x64xf32, #tpu.memory_space<vmem>>) offsets(%dma_start3A_298 : memref<128xi32, #tpu.memory_space<vmem>>) semaphore(%arg12 : memref<!tpu.dma_semaphore, #tpu.memory_space<semaphore_mem>>)
      %mul3A_302 = arith.constant 10 : i32
      %mul3A_303 = arith.muli %add3A_275, %mul3A_302 : i32
      %add3A_304 = arith.constant 2 : i32
      %add3A_305 = arith.addi %mul3A_303, %add3A_304 : i32
      %dma_start3A_306 = arith.constant 256 : i32
      %dma_start3A_307 = arith.constant 0 : i32
      %dma_start3A_308 = tpu.memref_slice %arg11[%dma_start3A_306, %dma_start3A_307] : memref<1280x64xf32, #tpu.memory_space<vmem>> -> memref<128x64xf32, #tpu.memory_space<vmem>>
      %dma_start3A_309 = arith.constant 0 : i32
      %dma_start3A_310 = tpu.memref_slice %arg10[%add3A_305, %dma_start3A_309] : memref<50x128xi32, #tpu.memory_space<vmem>> -> memref<1x128xi32, #tpu.memory_space<vmem>>
      %dma_start3A_311 = tpu.memref_squeeze %dma_start3A_310 : memref<1x128xi32, #tpu.memory_space<vmem>> -> memref<128xi32, #tpu.memory_space<vmem>>
      %dma_start3A_312 = arith.constant 0 : i32
      %dma_start3A_313 = arith.constant 0 : i32
      %dma_start3A_314 = tpu.memref_slice %arg2[%dma_start3A_312, %dma_start3A_313] : memref<100000x64xf32, #tpu.memory_space<hbm>> -> memref<100000x64xf32, #tpu.memory_space<hbm>>
      tpu.enqueue_indirect_dma source(%dma_start3A_314 : memref<100000x64xf32, #tpu.memory_space<hbm>>) target(%dma_start3A_308 : memref<128x64xf32, #tpu.memory_space<vmem>>) offsets(%dma_start3A_311 : memref<128xi32, #tpu.memory_space<vmem>>) semaphore(%arg12 : memref<!tpu.dma_semaphore, #tpu.memory_space<semaphore_mem>>)
      %mul3A_315 = arith.constant 10 : i32
      %mul3A_316 = arith.muli %add3A_275, %mul3A_315 : i32
      %add3A_317 = arith.constant 3 : i32
      %add3A_318 = arith.addi %mul3A_316, %add3A_317 : i32
      %dma_start3A_319 = arith.constant 384 : i32
      %dma_start3A_320 = arith.constant 0 : i32
      %dma_start3A_321 = tpu.memref_slice %arg11[%dma_start3A_319, %dma_start3A_320] : memref<1280x64xf32, #tpu.memory_space<vmem>> -> memref<128x64xf32, #tpu.memory_space<vmem>>
      %dma_start3A_322 = arith.constant 0 : i32
      %dma_start3A_323 = tpu.memref_slice %arg10[%add3A_318, %dma_start3A_322] : memref<50x128xi32, #tpu.memory_space<vmem>> -> memref<1x128xi32, #tpu.memory_space<vmem>>
      %dma_start3A_324 = tpu.memref_squeeze %dma_start3A_323 : memref<1x128xi32, #tpu.memory_space<vmem>> -> memref<128xi32, #tpu.memory_space<vmem>>
      %dma_start3A_325 = arith.constant 0 : i32
      %dma_start3A_326 = arith.constant 0 : i32
      %dma_start3A_327 = tpu.memref_slice %arg2[%dma_start3A_325, %dma_start3A_326] : memref<100000x64xf32, #tpu.memory_space<hbm>> -> memref<100000x64xf32, #tpu.memory_space<hbm>>
      tpu.enqueue_indirect_dma source(%dma_start3A_327 : memref<100000x64xf32, #tpu.memory_space<hbm>>) target(%dma_start3A_321 : memref<128x64xf32, #tpu.memory_space<vmem>>) offsets(%dma_start3A_324 : memref<128xi32, #tpu.memory_space<vmem>>) semaphore(%arg12 : memref<!tpu.dma_semaphore, #tpu.memory_space<semaphore_mem>>)
      %mul3A_328 = arith.constant 10 : i32
      %mul3A_329 = arith.muli %add3A_275, %mul3A_328 : i32
      %add3A_330 = arith.constant 4 : i32
      %add3A_331 = arith.addi %mul3A_329, %add3A_330 : i32
      %dma_start3A_332 = arith.constant 512 : i32
      %dma_start3A_333 = arith.constant 0 : i32
      %dma_start3A_334 = tpu.memref_slice %arg11[%dma_start3A_332, %dma_start3A_333] : memref<1280x64xf32, #tpu.memory_space<vmem>> -> memref<128x64xf32, #tpu.memory_space<vmem>>
      %dma_start3A_335 = arith.constant 0 : i32
      %dma_start3A_336 = tpu.memref_slice %arg10[%add3A_331, %dma_start3A_335] : memref<50x128xi32, #tpu.memory_space<vmem>> -> memref<1x128xi32, #tpu.memory_space<vmem>>
      %dma_start3A_337 = tpu.memref_squeeze %dma_start3A_336 : memref<1x128xi32, #tpu.memory_space<vmem>> -> memref<128xi32, #tpu.memory_space<vmem>>
      %dma_start3A_338 = arith.constant 0 : i32
      %dma_start3A_339 = arith.constant 0 : i32
      %dma_start3A_340 = tpu.memref_slice %arg2[%dma_start3A_338, %dma_start3A_339] : memref<100000x64xf32, #tpu.memory_space<hbm>> -> memref<100000x64xf32, #tpu.memory_space<hbm>>
      tpu.enqueue_indirect_dma source(%dma_start3A_340 : memref<100000x64xf32, #tpu.memory_space<hbm>>) target(%dma_start3A_334 : memref<128x64xf32, #tpu.memory_space<vmem>>) offsets(%dma_start3A_337 : memref<128xi32, #tpu.memory_space<vmem>>) semaphore(%arg12 : memref<!tpu.dma_semaphore, #tpu.memory_space<semaphore_mem>>)
      %mul3A_341 = arith.constant 10 : i32
      %mul3A_342 = arith.muli %add3A_275, %mul3A_341 : i32
      %add3A_343 = arith.constant 5 : i32
      %add3A_344 = arith.addi %mul3A_342, %add3A_343 : i32
      %dma_start3A_345 = arith.constant 640 : i32
      %dma_start3A_346 = arith.constant 0 : i32
      %dma_start3A_347 = tpu.memref_slice %arg11[%dma_start3A_345, %dma_start3A_346] : memref<1280x64xf32, #tpu.memory_space<vmem>> -> memref<128x64xf32, #tpu.memory_space<vmem>>
      %dma_start3A_348 = arith.constant 0 : i32
      %dma_start3A_349 = tpu.memref_slice %arg10[%add3A_344, %dma_start3A_348] : memref<50x128xi32, #tpu.memory_space<vmem>> -> memref<1x128xi32, #tpu.memory_space<vmem>>
      %dma_start3A_350 = tpu.memref_squeeze %dma_start3A_349 : memref<1x128xi32, #tpu.memory_space<vmem>> -> memref<128xi32, #tpu.memory_space<vmem>>
      %dma_start3A_351 = arith.constant 0 : i32
      %dma_start3A_352 = arith.constant 0 : i32
      %dma_start3A_353 = tpu.memref_slice %arg2[%dma_start3A_351, %dma_start3A_352] : memref<100000x64xf32, #tpu.memory_space<hbm>> -> memref<100000x64xf32, #tpu.memory_space<hbm>>
      tpu.enqueue_indirect_dma source(%dma_start3A_353 : memref<100000x64xf32, #tpu.memory_space<hbm>>) target(%dma_start3A_347 : memref<128x64xf32, #tpu.memory_space<vmem>>) offsets(%dma_start3A_350 : memref<128xi32, #tpu.memory_space<vmem>>) semaphore(%arg12 : memref<!tpu.dma_semaphore, #tpu.memory_space<semaphore_mem>>)
      %mul3A_354 = arith.constant 10 : i32
      %mul3A_355 = arith.muli %add3A_275, %mul3A_354 : i32
      %add3A_356 = arith.constant 6 : i32
      %add3A_357 = arith.addi %mul3A_355, %add3A_356 : i32
      %dma_start3A_358 = arith.constant 768 : i32
      %dma_start3A_359 = arith.constant 0 : i32
      %dma_start3A_360 = tpu.memref_slice %arg11[%dma_start3A_358, %dma_start3A_359] : memref<1280x64xf32, #tpu.memory_space<vmem>> -> memref<128x64xf32, #tpu.memory_space<vmem>>
      %dma_start3A_361 = arith.constant 0 : i32
      %dma_start3A_362 = tpu.memref_slice %arg10[%add3A_357, %dma_start3A_361] : memref<50x128xi32, #tpu.memory_space<vmem>> -> memref<1x128xi32, #tpu.memory_space<vmem>>
      %dma_start3A_363 = tpu.memref_squeeze %dma_start3A_362 : memref<1x128xi32, #tpu.memory_space<vmem>> -> memref<128xi32, #tpu.memory_space<vmem>>
      %dma_start3A_364 = arith.constant 0 : i32
      %dma_start3A_365 = arith.constant 0 : i32
      %dma_start3A_366 = tpu.memref_slice %arg2[%dma_start3A_364, %dma_start3A_365] : memref<100000x64xf32, #tpu.memory_space<hbm>> -> memref<100000x64xf32, #tpu.memory_space<hbm>>
      tpu.enqueue_indirect_dma source(%dma_start3A_366 : memref<100000x64xf32, #tpu.memory_space<hbm>>) target(%dma_start3A_360 : memref<128x64xf32, #tpu.memory_space<vmem>>) offsets(%dma_start3A_363 : memref<128xi32, #tpu.memory_space<vmem>>) semaphore(%arg12 : memref<!tpu.dma_semaphore, #tpu.memory_space<semaphore_mem>>)
      %mul3A_367 = arith.constant 10 : i32
      %mul3A_368 = arith.muli %add3A_275, %mul3A_367 : i32
      %add3A_369 = arith.constant 7 : i32
      %add3A_370 = arith.addi %mul3A_368, %add3A_369 : i32
      %dma_start3A_371 = arith.constant 896 : i32
      %dma_start3A_372 = arith.constant 0 : i32
      %dma_start3A_373 = tpu.memref_slice %arg11[%dma_start3A_371, %dma_start3A_372] : memref<1280x64xf32, #tpu.memory_space<vmem>> -> memref<128x64xf32, #tpu.memory_space<vmem>>
      %dma_start3A_374 = arith.constant 0 : i32
      %dma_start3A_375 = tpu.memref_slice %arg10[%add3A_370, %dma_start3A_374] : memref<50x128xi32, #tpu.memory_space<vmem>> -> memref<1x128xi32, #tpu.memory_space<vmem>>
      %dma_start3A_376 = tpu.memref_squeeze %dma_start3A_375 : memref<1x128xi32, #tpu.memory_space<vmem>> -> memref<128xi32, #tpu.memory_space<vmem>>
      %dma_start3A_377 = arith.constant 0 : i32
      %dma_start3A_378 = arith.constant 0 : i32
      %dma_start3A_379 = tpu.memref_slice %arg2[%dma_start3A_377, %dma_start3A_378] : memref<100000x64xf32, #tpu.memory_space<hbm>> -> memref<100000x64xf32, #tpu.memory_space<hbm>>
      tpu.enqueue_indirect_dma source(%dma_start3A_379 : memref<100000x64xf32, #tpu.memory_space<hbm>>) target(%dma_start3A_373 : memref<128x64xf32, #tpu.memory_space<vmem>>) offsets(%dma_start3A_376 : memref<128xi32, #tpu.memory_space<vmem>>) semaphore(%arg12 : memref<!tpu.dma_semaphore, #tpu.memory_space<semaphore_mem>>)
      %mul3A_380 = arith.constant 10 : i32
      %mul3A_381 = arith.muli %add3A_275, %mul3A_380 : i32
      %add3A_382 = arith.constant 8 : i32
      %add3A_383 = arith.addi %mul3A_381, %add3A_382 : i32
      %dma_start3A_384 = arith.constant 1024 : i32
      %dma_start3A_385 = arith.constant 0 : i32
      %dma_start3A_386 = tpu.memref_slice %arg11[%dma_start3A_384, %dma_start3A_385] : memref<1280x64xf32, #tpu.memory_space<vmem>> -> memref<128x64xf32, #tpu.memory_space<vmem>>
      %dma_start3A_387 = arith.constant 0 : i32
      %dma_start3A_388 = tpu.memref_slice %arg10[%add3A_383, %dma_start3A_387] : memref<50x128xi32, #tpu.memory_space<vmem>> -> memref<1x128xi32, #tpu.memory_space<vmem>>
      %dma_start3A_389 = tpu.memref_squeeze %dma_start3A_388 : memref<1x128xi32, #tpu.memory_space<vmem>> -> memref<128xi32, #tpu.memory_space<vmem>>
      %dma_start3A_390 = arith.constant 0 : i32
      %dma_start3A_391 = arith.constant 0 : i32
      %dma_start3A_392 = tpu.memref_slice %arg2[%dma_start3A_390, %dma_start3A_391] : memref<100000x64xf32, #tpu.memory_space<hbm>> -> memref<100000x64xf32, #tpu.memory_space<hbm>>
      tpu.enqueue_indirect_dma source(%dma_start3A_392 : memref<100000x64xf32, #tpu.memory_space<hbm>>) target(%dma_start3A_386 : memref<128x64xf32, #tpu.memory_space<vmem>>) offsets(%dma_start3A_389 : memref<128xi32, #tpu.memory_space<vmem>>) semaphore(%arg12 : memref<!tpu.dma_semaphore, #tpu.memory_space<semaphore_mem>>)
      %mul3A_393 = arith.constant 10 : i32
      %mul3A_394 = arith.muli %add3A_275, %mul3A_393 : i32
      %add3A_395 = arith.constant 9 : i32
      %add3A_396 = arith.addi %mul3A_394, %add3A_395 : i32
      %dma_start3A_397 = arith.constant 1152 : i32
      %dma_start3A_398 = arith.constant 0 : i32
      %dma_start3A_399 = tpu.memref_slice %arg11[%dma_start3A_397, %dma_start3A_398] : memref<1280x64xf32, #tpu.memory_space<vmem>> -> memref<128x64xf32, #tpu.memory_space<vmem>>
      %dma_start3A_400 = arith.constant 0 : i32
      %dma_start3A_401 = tpu.memref_slice %arg10[%add3A_396, %dma_start3A_400] : memref<50x128xi32, #tpu.memory_space<vmem>> -> memref<1x128xi32, #tpu.memory_space<vmem>>
      %dma_start3A_402 = tpu.memref_squeeze %dma_start3A_401 : memref<1x128xi32, #tpu.memory_space<vmem>> -> memref<128xi32, #tpu.memory_space<vmem>>
      %dma_start3A_403 = arith.constant 0 : i32
      %dma_start3A_404 = arith.constant 0 : i32
      %dma_start3A_405 = tpu.memref_slice %arg2[%dma_start3A_403, %dma_start3A_404] : memref<100000x64xf32, #tpu.memory_space<hbm>> -> memref<100000x64xf32, #tpu.memory_space<hbm>>
      tpu.enqueue_indirect_dma source(%dma_start3A_405 : memref<100000x64xf32, #tpu.memory_space<hbm>>) target(%dma_start3A_399 : memref<128x64xf32, #tpu.memory_space<vmem>>) offsets(%dma_start3A_402 : memref<128xi32, #tpu.memory_space<vmem>>) semaphore(%arg12 : memref<!tpu.dma_semaphore, #tpu.memory_space<semaphore_mem>>)
      %dma_wait3A_406 = arith.constant 0 : i32
      %dma_wait3A_407 = arith.constant 0 : i32
      %dma_wait3A_408 = tpu.memref_slice %arg11[%dma_wait3A_406, %dma_wait3A_407] : memref<1280x64xf32, #tpu.memory_space<vmem>> -> memref<128x64xf32, #tpu.memory_space<vmem>>
      %dma_wait3A_409 = arith.constant 0 : i32
      %dma_wait3A_410 = tpu.memref_slice %arg10[%add3A_279, %dma_wait3A_409] : memref<50x128xi32, #tpu.memory_space<vmem>> -> memref<1x128xi32, #tpu.memory_space<vmem>>
      %dma_wait3A_411 = tpu.memref_squeeze %dma_wait3A_410 : memref<1x128xi32, #tpu.memory_space<vmem>> -> memref<128xi32, #tpu.memory_space<vmem>>
      %dma_wait3A_412 = arith.constant 0 : i32
      %dma_wait3A_413 = arith.constant 0 : i32
      %dma_wait3A_414 = tpu.memref_slice %arg2[%dma_wait3A_412, %dma_wait3A_413] : memref<100000x64xf32, #tpu.memory_space<hbm>> -> memref<100000x64xf32, #tpu.memory_space<hbm>>
      tpu.wait_indirect_dma semaphore(%arg12 : memref<!tpu.dma_semaphore, #tpu.memory_space<semaphore_mem>>) src(%dma_wait3A_414 : memref<100000x64xf32, #tpu.memory_space<hbm>>) dst(%dma_wait3A_408 : memref<128x64xf32, #tpu.memory_space<vmem>>)
      %dma_wait3A_415 = arith.constant 128 : i32
      %dma_wait3A_416 = arith.constant 0 : i32
      %dma_wait3A_417 = tpu.memref_slice %arg11[%dma_wait3A_415, %dma_wait3A_416] : memref<1280x64xf32, #tpu.memory_space<vmem>> -> memref<128x64xf32, #tpu.memory_space<vmem>>
      %dma_wait3A_418 = arith.constant 0 : i32
      %dma_wait3A_419 = tpu.memref_slice %arg10[%add3A_292, %dma_wait3A_418] : memref<50x128xi32, #tpu.memory_space<vmem>> -> memref<1x128xi32, #tpu.memory_space<vmem>>
      %dma_wait3A_420 = tpu.memref_squeeze %dma_wait3A_419 : memref<1x128xi32, #tpu.memory_space<vmem>> -> memref<128xi32, #tpu.memory_space<vmem>>
      %dma_wait3A_421 = arith.constant 0 : i32
      %dma_wait3A_422 = arith.constant 0 : i32
      %dma_wait3A_423 = tpu.memref_slice %arg2[%dma_wait3A_421, %dma_wait3A_422] : memref<100000x64xf32, #tpu.memory_space<hbm>> -> memref<100000x64xf32, #tpu.memory_space<hbm>>
      tpu.wait_indirect_dma semaphore(%arg12 : memref<!tpu.dma_semaphore, #tpu.memory_space<semaphore_mem>>) src(%dma_wait3A_423 : memref<100000x64xf32, #tpu.memory_space<hbm>>) dst(%dma_wait3A_417 : memref<128x64xf32, #tpu.memory_space<vmem>>)
      %dma_wait3A_424 = arith.constant 256 : i32
      %dma_wait3A_425 = arith.constant 0 : i32
      %dma_wait3A_426 = tpu.memref_slice %arg11[%dma_wait3A_424, %dma_wait3A_425] : memref<1280x64xf32, #tpu.memory_space<vmem>> -> memref<128x64xf32, #tpu.memory_space<vmem>>
      %dma_wait3A_427 = arith.constant 0 : i32
      %dma_wait3A_428 = tpu.memref_slice %arg10[%add3A_305, %dma_wait3A_427] : memref<50x128xi32, #tpu.memory_space<vmem>> -> memref<1x128xi32, #tpu.memory_space<vmem>>
      %dma_wait3A_429 = tpu.memref_squeeze %dma_wait3A_428 : memref<1x128xi32, #tpu.memory_space<vmem>> -> memref<128xi32, #tpu.memory_space<vmem>>
      %dma_wait3A_430 = arith.constant 0 : i32
      %dma_wait3A_431 = arith.constant 0 : i32
      %dma_wait3A_432 = tpu.memref_slice %arg2[%dma_wait3A_430, %dma_wait3A_431] : memref<100000x64xf32, #tpu.memory_space<hbm>> -> memref<100000x64xf32, #tpu.memory_space<hbm>>
      tpu.wait_indirect_dma semaphore(%arg12 : memref<!tpu.dma_semaphore, #tpu.memory_space<semaphore_mem>>) src(%dma_wait3A_432 : memref<100000x64xf32, #tpu.memory_space<hbm>>) dst(%dma_wait3A_426 : memref<128x64xf32, #tpu.memory_space<vmem>>)
      %dma_wait3A_433 = arith.constant 384 : i32
      %dma_wait3A_434 = arith.constant 0 : i32
      %dma_wait3A_435 = tpu.memref_slice %arg11[%dma_wait3A_433, %dma_wait3A_434] : memref<1280x64xf32, #tpu.memory_space<vmem>> -> memref<128x64xf32, #tpu.memory_space<vmem>>
      %dma_wait3A_436 = arith.constant 0 : i32
      %dma_wait3A_437 = tpu.memref_slice %arg10[%add3A_318, %dma_wait3A_436] : memref<50x128xi32, #tpu.memory_space<vmem>> -> memref<1x128xi32, #tpu.memory_space<vmem>>
      %dma_wait3A_438 = tpu.memref_squeeze %dma_wait3A_437 : memref<1x128xi32, #tpu.memory_space<vmem>> -> memref<128xi32, #tpu.memory_space<vmem>>
      %dma_wait3A_439 = arith.constant 0 : i32
      %dma_wait3A_440 = arith.constant 0 : i32
      %dma_wait3A_441 = tpu.memref_slice %arg2[%dma_wait3A_439, %dma_wait3A_440] : memref<100000x64xf32, #tpu.memory_space<hbm>> -> memref<100000x64xf32, #tpu.memory_space<hbm>>
      tpu.wait_indirect_dma semaphore(%arg12 : memref<!tpu.dma_semaphore, #tpu.memory_space<semaphore_mem>>) src(%dma_wait3A_441 : memref<100000x64xf32, #tpu.memory_space<hbm>>) dst(%dma_wait3A_435 : memref<128x64xf32, #tpu.memory_space<vmem>>)
      %dma_wait3A_442 = arith.constant 512 : i32
      %dma_wait3A_443 = arith.constant 0 : i32
      %dma_wait3A_444 = tpu.memref_slice %arg11[%dma_wait3A_442, %dma_wait3A_443] : memref<1280x64xf32, #tpu.memory_space<vmem>> -> memref<128x64xf32, #tpu.memory_space<vmem>>
      %dma_wait3A_445 = arith.constant 0 : i32
      %dma_wait3A_446 = tpu.memref_slice %arg10[%add3A_331, %dma_wait3A_445] : memref<50x128xi32, #tpu.memory_space<vmem>> -> memref<1x128xi32, #tpu.memory_space<vmem>>
      %dma_wait3A_447 = tpu.memref_squeeze %dma_wait3A_446 : memref<1x128xi32, #tpu.memory_space<vmem>> -> memref<128xi32, #tpu.memory_space<vmem>>
      %dma_wait3A_448 = arith.constant 0 : i32
      %dma_wait3A_449 = arith.constant 0 : i32
      %dma_wait3A_450 = tpu.memref_slice %arg2[%dma_wait3A_448, %dma_wait3A_449] : memref<100000x64xf32, #tpu.memory_space<hbm>> -> memref<100000x64xf32, #tpu.memory_space<hbm>>
      tpu.wait_indirect_dma semaphore(%arg12 : memref<!tpu.dma_semaphore, #tpu.memory_space<semaphore_mem>>) src(%dma_wait3A_450 : memref<100000x64xf32, #tpu.memory_space<hbm>>) dst(%dma_wait3A_444 : memref<128x64xf32, #tpu.memory_space<vmem>>)
      %dma_wait3A_451 = arith.constant 640 : i32
      %dma_wait3A_452 = arith.constant 0 : i32
      %dma_wait3A_453 = tpu.memref_slice %arg11[%dma_wait3A_451, %dma_wait3A_452] : memref<1280x64xf32, #tpu.memory_space<vmem>> -> memref<128x64xf32, #tpu.memory_space<vmem>>
      %dma_wait3A_454 = arith.constant 0 : i32
      %dma_wait3A_455 = tpu.memref_slice %arg10[%add3A_344, %dma_wait3A_454] : memref<50x128xi32, #tpu.memory_space<vmem>> -> memref<1x128xi32, #tpu.memory_space<vmem>>
      %dma_wait3A_456 = tpu.memref_squeeze %dma_wait3A_455 : memref<1x128xi32, #tpu.memory_space<vmem>> -> memref<128xi32, #tpu.memory_space<vmem>>
      %dma_wait3A_457 = arith.constant 0 : i32
      %dma_wait3A_458 = arith.constant 0 : i32
      %dma_wait3A_459 = tpu.memref_slice %arg2[%dma_wait3A_457, %dma_wait3A_458] : memref<100000x64xf32, #tpu.memory_space<hbm>> -> memref<100000x64xf32, #tpu.memory_space<hbm>>
      tpu.wait_indirect_dma semaphore(%arg12 : memref<!tpu.dma_semaphore, #tpu.memory_space<semaphore_mem>>) src(%dma_wait3A_459 : memref<100000x64xf32, #tpu.memory_space<hbm>>) dst(%dma_wait3A_453 : memref<128x64xf32, #tpu.memory_space<vmem>>)
      %dma_wait3A_460 = arith.constant 768 : i32
      %dma_wait3A_461 = arith.constant 0 : i32
      %dma_wait3A_462 = tpu.memref_slice %arg11[%dma_wait3A_460, %dma_wait3A_461] : memref<1280x64xf32, #tpu.memory_space<vmem>> -> memref<128x64xf32, #tpu.memory_space<vmem>>
      %dma_wait3A_463 = arith.constant 0 : i32
      %dma_wait3A_464 = tpu.memref_slice %arg10[%add3A_357, %dma_wait3A_463] : memref<50x128xi32, #tpu.memory_space<vmem>> -> memref<1x128xi32, #tpu.memory_space<vmem>>
      %dma_wait3A_465 = tpu.memref_squeeze %dma_wait3A_464 : memref<1x128xi32, #tpu.memory_space<vmem>> -> memref<128xi32, #tpu.memory_space<vmem>>
      %dma_wait3A_466 = arith.constant 0 : i32
      %dma_wait3A_467 = arith.constant 0 : i32
      %dma_wait3A_468 = tpu.memref_slice %arg2[%dma_wait3A_466, %dma_wait3A_467] : memref<100000x64xf32, #tpu.memory_space<hbm>> -> memref<100000x64xf32, #tpu.memory_space<hbm>>
      tpu.wait_indirect_dma semaphore(%arg12 : memref<!tpu.dma_semaphore, #tpu.memory_space<semaphore_mem>>) src(%dma_wait3A_468 : memref<100000x64xf32, #tpu.memory_space<hbm>>) dst(%dma_wait3A_462 : memref<128x64xf32, #tpu.memory_space<vmem>>)
      %dma_wait3A_469 = arith.constant 896 : i32
      %dma_wait3A_470 = arith.constant 0 : i32
      %dma_wait3A_471 = tpu.memref_slice %arg11[%dma_wait3A_469, %dma_wait3A_470] : memref<1280x64xf32, #tpu.memory_space<vmem>> -> memref<128x64xf32, #tpu.memory_space<vmem>>
      %dma_wait3A_472 = arith.constant 0 : i32
      %dma_wait3A_473 = tpu.memref_slice %arg10[%add3A_370, %dma_wait3A_472] : memref<50x128xi32, #tpu.memory_space<vmem>> -> memref<1x128xi32, #tpu.memory_space<vmem>>
      %dma_wait3A_474 = tpu.memref_squeeze %dma_wait3A_473 : memref<1x128xi32, #tpu.memory_space<vmem>> -> memref<128xi32, #tpu.memory_space<vmem>>
      %dma_wait3A_475 = arith.constant 0 : i32
      %dma_wait3A_476 = arith.constant 0 : i32
      %dma_wait3A_477 = tpu.memref_slice %arg2[%dma_wait3A_475, %dma_wait3A_476] : memref<100000x64xf32, #tpu.memory_space<hbm>> -> memref<100000x64xf32, #tpu.memory_space<hbm>>
      tpu.wait_indirect_dma semaphore(%arg12 : memref<!tpu.dma_semaphore, #tpu.memory_space<semaphore_mem>>) src(%dma_wait3A_477 : memref<100000x64xf32, #tpu.memory_space<hbm>>) dst(%dma_wait3A_471 : memref<128x64xf32, #tpu.memory_space<vmem>>)
      %dma_wait3A_478 = arith.constant 1024 : i32
      %dma_wait3A_479 = arith.constant 0 : i32
      %dma_wait3A_480 = tpu.memref_slice %arg11[%dma_wait3A_478, %dma_wait3A_479] : memref<1280x64xf32, #tpu.memory_space<vmem>> -> memref<128x64xf32, #tpu.memory_space<vmem>>
      %dma_wait3A_481 = arith.constant 0 : i32
      %dma_wait3A_482 = tpu.memref_slice %arg10[%add3A_383, %dma_wait3A_481] : memref<50x128xi32, #tpu.memory_space<vmem>> -> memref<1x128xi32, #tpu.memory_space<vmem>>
      %dma_wait3A_483 = tpu.memref_squeeze %dma_wait3A_482 : memref<1x128xi32, #tpu.memory_space<vmem>> -> memref<128xi32, #tpu.memory_space<vmem>>
      %dma_wait3A_484 = arith.constant 0 : i32
      %dma_wait3A_485 = arith.constant 0 : i32
      %dma_wait3A_486 = tpu.memref_slice %arg2[%dma_wait3A_484, %dma_wait3A_485] : memref<100000x64xf32, #tpu.memory_space<hbm>> -> memref<100000x64xf32, #tpu.memory_space<hbm>>
      tpu.wait_indirect_dma semaphore(%arg12 : memref<!tpu.dma_semaphore, #tpu.memory_space<semaphore_mem>>) src(%dma_wait3A_486 : memref<100000x64xf32, #tpu.memory_space<hbm>>) dst(%dma_wait3A_480 : memref<128x64xf32, #tpu.memory_space<vmem>>)
      %dma_wait3A_487 = arith.constant 1152 : i32
      %dma_wait3A_488 = arith.constant 0 : i32
      %dma_wait3A_489 = tpu.memref_slice %arg11[%dma_wait3A_487, %dma_wait3A_488] : memref<1280x64xf32, #tpu.memory_space<vmem>> -> memref<128x64xf32, #tpu.memory_space<vmem>>
      %dma_wait3A_490 = arith.constant 0 : i32
      %dma_wait3A_491 = tpu.memref_slice %arg10[%add3A_396, %dma_wait3A_490] : memref<50x128xi32, #tpu.memory_space<vmem>> -> memref<1x128xi32, #tpu.memory_space<vmem>>
      %dma_wait3A_492 = tpu.memref_squeeze %dma_wait3A_491 : memref<1x128xi32, #tpu.memory_space<vmem>> -> memref<128xi32, #tpu.memory_space<vmem>>
      %dma_wait3A_493 = arith.constant 0 : i32
      %dma_wait3A_494 = arith.constant 0 : i32
      %dma_wait3A_495 = tpu.memref_slice %arg2[%dma_wait3A_493, %dma_wait3A_494] : memref<100000x64xf32, #tpu.memory_space<hbm>> -> memref<100000x64xf32, #tpu.memory_space<hbm>>
      tpu.wait_indirect_dma semaphore(%arg12 : memref<!tpu.dma_semaphore, #tpu.memory_space<semaphore_mem>>) src(%dma_wait3A_495 : memref<100000x64xf32, #tpu.memory_space<hbm>>) dst(%dma_wait3A_489 : memref<128x64xf32, #tpu.memory_space<vmem>>)
      %mul3A_496 = arith.constant 50 : i32
      %mul3A_497 = arith.muli %add3A, %mul3A_496 : i32
      %mul3A_498 = arith.constant 10 : i32
      %mul3A_499 = arith.muli %add3A_275, %mul3A_498 : i32
      %add3A_500 = arith.addi %mul3A_497, %mul3A_499 : i32
      %mul3A_501 = arith.constant 128 : i32
      %mul3A_502 = arith.muli %add3A_500, %mul3A_501 : i32
      "tpu.region"() ({
        %run_scoped3A = tpu.sem_alloc : memref<!tpu.dma_semaphore, #tpu.memory_space<semaphore_mem>>
        %dma_start3A_503 = arith.constant 0 : i32
        %dma_start3A_504 = arith.constant 0 : i32
        %dma_start3A_505 = tpu.memref_slice %arg11[%dma_start3A_503, %dma_start3A_504] : memref<1280x64xf32, #tpu.memory_space<vmem>> -> memref<1280x64xf32, #tpu.memory_space<vmem>>
        %dma_start3A_506 = arith.constant 0 : i32
        %dma_start3A_507 = tpu.memref_slice %arg7[%mul3A_502, %dma_start3A_506] : memref<204800x64xf32, #tpu.memory_space<hbm>> -> memref<1280x64xf32, #tpu.memory_space<hbm>>
        %dma_start3A_508 = arith.constant 0 : i32
        %dma_start3A_509 = tpu.memref_slice %arg7[%mul3A_502, %dma_start3A_508] : memref<204800x64xf32, #tpu.memory_space<hbm>> -> memref<1280x64xf32, #tpu.memory_space<hbm>>
        %dma_start3A_510 = arith.constant 0 : i32
        %dma_start3A_511 = arith.constant 0 : i32
        %dma_start3A_512 = tpu.memref_slice %arg11[%dma_start3A_510, %dma_start3A_511] : memref<1280x64xf32, #tpu.memory_space<vmem>> -> memref<1280x64xf32, #tpu.memory_space<vmem>>
        tpu.enqueue_dma source(%dma_start3A_512 : memref<1280x64xf32, #tpu.memory_space<vmem>>) target(%dma_start3A_509 : memref<1280x64xf32, #tpu.memory_space<hbm>>) target_semaphore(%run_scoped3A : memref<!tpu.dma_semaphore, #tpu.memory_space<semaphore_mem>>)
        %dma_wait3A_513 = arith.constant 0 : i32
        %dma_wait3A_514 = arith.constant 0 : i32
        %dma_wait3A_515 = tpu.memref_slice %arg11[%dma_wait3A_513, %dma_wait3A_514] : memref<1280x64xf32, #tpu.memory_space<vmem>> -> memref<1280x64xf32, #tpu.memory_space<vmem>>
        %dma_wait3A_516 = arith.constant 0 : i32
        %dma_wait3A_517 = tpu.memref_slice %arg7[%mul3A_502, %dma_wait3A_516] : memref<204800x64xf32, #tpu.memory_space<hbm>> -> memref<1280x64xf32, #tpu.memory_space<hbm>>
        %dma_wait3A_518 = arith.constant 0 : i32
        %dma_wait3A_519 = tpu.memref_slice %arg7[%mul3A_502, %dma_wait3A_518] : memref<204800x64xf32, #tpu.memory_space<hbm>> -> memref<1280x64xf32, #tpu.memory_space<hbm>>
        %dma_wait3A_520 = arith.constant 0 : i32
        %dma_wait3A_521 = arith.constant 0 : i32
        %dma_wait3A_522 = tpu.memref_slice %arg11[%dma_wait3A_520, %dma_wait3A_521] : memref<1280x64xf32, #tpu.memory_space<vmem>> -> memref<1280x64xf32, #tpu.memory_space<vmem>>
        tpu.wait_dma2 semaphore(%run_scoped3A : memref<!tpu.dma_semaphore, #tpu.memory_space<semaphore_mem>>) src(%dma_wait3A_522 : memref<1280x64xf32, #tpu.memory_space<vmem>>) dst(%dma_wait3A_519 : memref<1280x64xf32, #tpu.memory_space<hbm>>)
        tpu.yield
      }) : () -> ()
    }
    %scan3A_4 = arith.constant 5 : i32
    "tpu.region"() ({
      %run_scoped3A = tpu.sem_alloc : memref<!tpu.dma_semaphore, #tpu.memory_space<semaphore_mem>>
      %dma_start3A_271 = arith.constant 0 : i32
      %dma_start3A_272 = arith.constant 0 : i32
      %dma_start3A_273 = tpu.memref_slice %arg10[%dma_start3A_271, %dma_start3A_272] : memref<50x128xi32, #tpu.memory_space<vmem>> -> memref<1x128xi32, #tpu.memory_space<vmem>>
      %dma_start3A_274 = arith.constant 0 : i32
      %dma_start3A_275 = arith.constant 0 : i32
      %dma_start3A_276 = tpu.memref_slice %arg4[%add3A, %dma_start3A_274, %dma_start3A_275] : memref<32x1x128xi32, #tpu.memory_space<hbm>> -> memref<1x1x128xi32, #tpu.memory_space<hbm>>
      %dma_start3A_277 = tpu.memref_squeeze %dma_start3A_276 : memref<1x1x128xi32, #tpu.memory_space<hbm>> -> memref<1x128xi32, #tpu.memory_space<hbm>>
      %dma_start3A_278 = arith.constant 0 : i32
      %dma_start3A_279 = arith.constant 0 : i32
      %dma_start3A_280 = tpu.memref_slice %arg10[%dma_start3A_278, %dma_start3A_279] : memref<50x128xi32, #tpu.memory_space<vmem>> -> memref<1x128xi32, #tpu.memory_space<vmem>>
      %dma_start3A_281 = arith.constant 0 : i32
      %dma_start3A_282 = arith.constant 0 : i32
      %dma_start3A_283 = tpu.memref_slice %arg4[%add3A, %dma_start3A_281, %dma_start3A_282] : memref<32x1x128xi32, #tpu.memory_space<hbm>> -> memref<1x1x128xi32, #tpu.memory_space<hbm>>
      %dma_start3A_284 = tpu.memref_squeeze %dma_start3A_283 : memref<1x1x128xi32, #tpu.memory_space<hbm>> -> memref<1x128xi32, #tpu.memory_space<hbm>>
      tpu.enqueue_dma source(%dma_start3A_284 : memref<1x128xi32, #tpu.memory_space<hbm>>) target(%dma_start3A_280 : memref<1x128xi32, #tpu.memory_space<vmem>>) target_semaphore(%run_scoped3A : memref<!tpu.dma_semaphore, #tpu.memory_space<semaphore_mem>>)
      %dma_wait3A_285 = arith.constant 0 : i32
      %dma_wait3A_286 = arith.constant 0 : i32
      %dma_wait3A_287 = tpu.memref_slice %arg10[%dma_wait3A_285, %dma_wait3A_286] : memref<50x128xi32, #tpu.memory_space<vmem>> -> memref<1x128xi32, #tpu.memory_space<vmem>>
      %dma_wait3A_288 = arith.constant 0 : i32
      %dma_wait3A_289 = arith.constant 0 : i32
      %dma_wait3A_290 = tpu.memref_slice %arg4[%add3A, %dma_wait3A_288, %dma_wait3A_289] : memref<32x1x128xi32, #tpu.memory_space<hbm>> -> memref<1x1x128xi32, #tpu.memory_space<hbm>>
      %dma_wait3A_291 = tpu.memref_squeeze %dma_wait3A_290 : memref<1x1x128xi32, #tpu.memory_space<hbm>> -> memref<1x128xi32, #tpu.memory_space<hbm>>
      %dma_wait3A_292 = arith.constant 0 : i32
      %dma_wait3A_293 = arith.constant 0 : i32
      %dma_wait3A_294 = tpu.memref_slice %arg10[%dma_wait3A_292, %dma_wait3A_293] : memref<50x128xi32, #tpu.memory_space<vmem>> -> memref<1x128xi32, #tpu.memory_space<vmem>>
      %dma_wait3A_295 = arith.constant 0 : i32
      %dma_wait3A_296 = arith.constant 0 : i32
      %dma_wait3A_297 = tpu.memref_slice %arg4[%add3A, %dma_wait3A_295, %dma_wait3A_296] : memref<32x1x128xi32, #tpu.memory_space<hbm>> -> memref<1x1x128xi32, #tpu.memory_space<hbm>>
      %dma_wait3A_298 = tpu.memref_squeeze %dma_wait3A_297 : memref<1x1x128xi32, #tpu.memory_space<hbm>> -> memref<1x128xi32, #tpu.memory_space<hbm>>
      tpu.wait_dma2 semaphore(%run_scoped3A : memref<!tpu.dma_semaphore, #tpu.memory_space<semaphore_mem>>) src(%dma_wait3A_298 : memref<1x128xi32, #tpu.memory_space<hbm>>) dst(%dma_wait3A_294 : memref<1x128xi32, #tpu.memory_space<vmem>>)
      tpu.yield
    }) : () -> ()
    %scan3A_5 = arith.constant 0 : i32
    %mul3A_6 = arith.constant 1 : i32
    %mul3A_7 = arith.muli %scan3A_5, %mul3A_6 : i32
    %add3A_8 = arith.constant 0 : i32
    %add3A_9 = arith.addi %add3A_8, %mul3A_7 : i32
    %mul3A_10 = arith.constant 1 : i32
    %mul3A_11 = arith.muli %add3A_9, %mul3A_10 : i32
    %add3A_12 = arith.constant 0 : i32
    %add3A_13 = arith.addi %mul3A_11, %add3A_12 : i32
    %dma_start3A = arith.constant 0 : i32
    %dma_start3A_14 = arith.constant 0 : i32
    %dma_start3A_15 = tpu.memref_slice %arg11[%dma_start3A, %dma_start3A_14] : memref<1280x64xf32, #tpu.memory_space<vmem>> -> memref<128x64xf32, #tpu.memory_space<vmem>>
    %dma_start3A_16 = arith.constant 0 : i32
    %dma_start3A_17 = tpu.memref_slice %arg10[%add3A_13, %dma_start3A_16] : memref<50x128xi32, #tpu.memory_space<vmem>> -> memref<1x128xi32, #tpu.memory_space<vmem>>
    %dma_start3A_18 = tpu.memref_squeeze %dma_start3A_17 : memref<1x128xi32, #tpu.memory_space<vmem>> -> memref<128xi32, #tpu.memory_space<vmem>>
    %dma_start3A_19 = arith.constant 0 : i32
    %dma_start3A_20 = arith.constant 0 : i32
    %dma_start3A_21 = tpu.memref_slice %arg2[%dma_start3A_19, %dma_start3A_20] : memref<100000x64xf32, #tpu.memory_space<hbm>> -> memref<100000x64xf32, #tpu.memory_space<hbm>>
    tpu.enqueue_indirect_dma source(%dma_start3A_21 : memref<100000x64xf32, #tpu.memory_space<hbm>>) target(%dma_start3A_15 : memref<128x64xf32, #tpu.memory_space<vmem>>) offsets(%dma_start3A_18 : memref<128xi32, #tpu.memory_space<vmem>>) semaphore(%arg12 : memref<!tpu.dma_semaphore, #tpu.memory_space<semaphore_mem>>)
    %dma_wait3A = arith.constant 0 : i32
    %dma_wait3A_22 = arith.constant 0 : i32
    %dma_wait3A_23 = tpu.memref_slice %arg11[%dma_wait3A, %dma_wait3A_22] : memref<1280x64xf32, #tpu.memory_space<vmem>> -> memref<128x64xf32, #tpu.memory_space<vmem>>
    %dma_wait3A_24 = arith.constant 0 : i32
    %dma_wait3A_25 = tpu.memref_slice %arg10[%add3A_13, %dma_wait3A_24] : memref<50x128xi32, #tpu.memory_space<vmem>> -> memref<1x128xi32, #tpu.memory_space<vmem>>
    %dma_wait3A_26 = tpu.memref_squeeze %dma_wait3A_25 : memref<1x128xi32, #tpu.memory_space<vmem>> -> memref<128xi32, #tpu.memory_space<vmem>>
    %dma_wait3A_27 = arith.constant 0 : i32
    %dma_wait3A_28 = arith.constant 0 : i32
    %dma_wait3A_29 = tpu.memref_slice %arg2[%dma_wait3A_27, %dma_wait3A_28] : memref<100000x64xf32, #tpu.memory_space<hbm>> -> memref<100000x64xf32, #tpu.memory_space<hbm>>
    tpu.wait_indirect_dma semaphore(%arg12 : memref<!tpu.dma_semaphore, #tpu.memory_space<semaphore_mem>>) src(%dma_wait3A_29 : memref<100000x64xf32, #tpu.memory_space<hbm>>) dst(%dma_wait3A_23 : memref<128x64xf32, #tpu.memory_space<vmem>>)
    %mul3A_30 = arith.constant 1 : i32
    %mul3A_31 = arith.muli %add3A, %mul3A_30 : i32
    %mul3A_32 = arith.constant 1 : i32
    %mul3A_33 = arith.muli %add3A_9, %mul3A_32 : i32
    %add3A_34 = arith.addi %mul3A_31, %mul3A_33 : i32
    %mul3A_35 = arith.constant 128 : i32
    %mul3A_36 = arith.muli %add3A_34, %mul3A_35 : i32
    "tpu.region"() ({
      %run_scoped3A = tpu.sem_alloc : memref<!tpu.dma_semaphore, #tpu.memory_space<semaphore_mem>>
      %dma_start3A_271 = arith.constant 0 : i32
      %dma_start3A_272 = arith.constant 0 : i32
      %dma_start3A_273 = tpu.memref_slice %arg11[%dma_start3A_271, %dma_start3A_272] : memref<1280x64xf32, #tpu.memory_space<vmem>> -> memref<128x64xf32, #tpu.memory_space<vmem>>
      %dma_start3A_274 = arith.constant 0 : i32
      %dma_start3A_275 = tpu.memref_slice %arg8[%mul3A_36, %dma_start3A_274] : memref<4096x64xf32, #tpu.memory_space<hbm>> -> memref<128x64xf32, #tpu.memory_space<hbm>>
      %dma_start3A_276 = arith.constant 0 : i32
      %dma_start3A_277 = tpu.memref_slice %arg8[%mul3A_36, %dma_start3A_276] : memref<4096x64xf32, #tpu.memory_space<hbm>> -> memref<128x64xf32, #tpu.memory_space<hbm>>
      %dma_start3A_278 = arith.constant 0 : i32
      %dma_start3A_279 = arith.constant 0 : i32
      %dma_start3A_280 = tpu.memref_slice %arg11[%dma_start3A_278, %dma_start3A_279] : memref<1280x64xf32, #tpu.memory_space<vmem>> -> memref<128x64xf32, #tpu.memory_space<vmem>>
      tpu.enqueue_dma source(%dma_start3A_280 : memref<128x64xf32, #tpu.memory_space<vmem>>) target(%dma_start3A_277 : memref<128x64xf32, #tpu.memory_space<hbm>>) target_semaphore(%run_scoped3A : memref<!tpu.dma_semaphore, #tpu.memory_space<semaphore_mem>>)
      %dma_wait3A_281 = arith.constant 0 : i32
      %dma_wait3A_282 = arith.constant 0 : i32
      %dma_wait3A_283 = tpu.memref_slice %arg11[%dma_wait3A_281, %dma_wait3A_282] : memref<1280x64xf32, #tpu.memory_space<vmem>> -> memref<128x64xf32, #tpu.memory_space<vmem>>
      %dma_wait3A_284 = arith.constant 0 : i32
      %dma_wait3A_285 = tpu.memref_slice %arg8[%mul3A_36, %dma_wait3A_284] : memref<4096x64xf32, #tpu.memory_space<hbm>> -> memref<128x64xf32, #tpu.memory_space<hbm>>
      %dma_wait3A_286 = arith.constant 0 : i32
      %dma_wait3A_287 = tpu.memref_slice %arg8[%mul3A_36, %dma_wait3A_286] : memref<4096x64xf32, #tpu.memory_space<hbm>> -> memref<128x64xf32, #tpu.memory_space<hbm>>
      %dma_wait3A_288 = arith.constant 0 : i32
      %dma_wait3A_289 = arith.constant 0 : i32
      %dma_wait3A_290 = tpu.memref_slice %arg11[%dma_wait3A_288, %dma_wait3A_289] : memref<1280x64xf32, #tpu.memory_space<vmem>> -> memref<128x64xf32, #tpu.memory_space<vmem>>
      tpu.wait_dma2 semaphore(%run_scoped3A : memref<!tpu.dma_semaphore, #tpu.memory_space<semaphore_mem>>) src(%dma_wait3A_290 : memref<128x64xf32, #tpu.memory_space<vmem>>) dst(%dma_wait3A_287 : memref<128x64xf32, #tpu.memory_space<hbm>>)
      tpu.yield
    }) : () -> ()
    %scan3A_37 = arith.constant 1 : i32
    "tpu.region"() ({
      %run_scoped3A = tpu.sem_alloc : memref<!tpu.dma_semaphore, #tpu.memory_space<semaphore_mem>>
      %dma_start3A_271 = arith.constant 0 : i32
      %dma_start3A_272 = arith.constant 0 : i32
      %dma_start3A_273 = tpu.memref_slice %arg10[%dma_start3A_271, %dma_start3A_272] : memref<50x128xi32, #tpu.memory_space<vmem>> -> memref<10x128xi32, #tpu.memory_space<vmem>>
      %dma_start3A_274 = arith.constant 0 : i32
      %dma_start3A_275 = arith.constant 0 : i32
      %dma_start3A_276 = tpu.memref_slice %arg6[%add3A, %dma_start3A_274, %dma_start3A_275] : memref<32x10x128xi32, #tpu.memory_space<hbm>> -> memref<1x10x128xi32, #tpu.memory_space<hbm>>
      %dma_start3A_277 = tpu.memref_squeeze %dma_start3A_276 : memref<1x10x128xi32, #tpu.memory_space<hbm>> -> memref<10x128xi32, #tpu.memory_space<hbm>>
      %dma_start3A_278 = arith.constant 0 : i32
      %dma_start3A_279 = arith.constant 0 : i32
      %dma_start3A_280 = tpu.memref_slice %arg10[%dma_start3A_278, %dma_start3A_279] : memref<50x128xi32, #tpu.memory_space<vmem>> -> memref<10x128xi32, #tpu.memory_space<vmem>>
      %dma_start3A_281 = arith.constant 0 : i32
      %dma_start3A_282 = arith.constant 0 : i32
      %dma_start3A_283 = tpu.memref_slice %arg6[%add3A, %dma_start3A_281, %dma_start3A_282] : memref<32x10x128xi32, #tpu.memory_space<hbm>> -> memref<1x10x128xi32, #tpu.memory_space<hbm>>
      %dma_start3A_284 = tpu.memref_squeeze %dma_start3A_283 : memref<1x10x128xi32, #tpu.memory_space<hbm>> -> memref<10x128xi32, #tpu.memory_space<hbm>>
      tpu.enqueue_dma source(%dma_start3A_284 : memref<10x128xi32, #tpu.memory_space<hbm>>) target(%dma_start3A_280 : memref<10x128xi32, #tpu.memory_space<vmem>>) target_semaphore(%run_scoped3A : memref<!tpu.dma_semaphore, #tpu.memory_space<semaphore_mem>>)
      %dma_wait3A_285 = arith.constant 0 : i32
      %dma_wait3A_286 = arith.constant 0 : i32
      %dma_wait3A_287 = tpu.memref_slice %arg10[%dma_wait3A_285, %dma_wait3A_286] : memref<50x128xi32, #tpu.memory_space<vmem>> -> memref<10x128xi32, #tpu.memory_space<vmem>>
      %dma_wait3A_288 = arith.constant 0 : i32
      %dma_wait3A_289 = arith.constant 0 : i32
      %dma_wait3A_290 = tpu.memref_slice %arg6[%add3A, %dma_wait3A_288, %dma_wait3A_289] : memref<32x10x128xi32, #tpu.memory_space<hbm>> -> memref<1x10x128xi32, #tpu.memory_space<hbm>>
      %dma_wait3A_291 = tpu.memref_squeeze %dma_wait3A_290 : memref<1x10x128xi32, #tpu.memory_space<hbm>> -> memref<10x128xi32, #tpu.memory_space<hbm>>
      %dma_wait3A_292 = arith.constant 0 : i32
      %dma_wait3A_293 = arith.constant 0 : i32
      %dma_wait3A_294 = tpu.memref_slice %arg10[%dma_wait3A_292, %dma_wait3A_293] : memref<50x128xi32, #tpu.memory_space<vmem>> -> memref<10x128xi32, #tpu.memory_space<vmem>>
      %dma_wait3A_295 = arith.constant 0 : i32
      %dma_wait3A_296 = arith.constant 0 : i32
      %dma_wait3A_297 = tpu.memref_slice %arg6[%add3A, %dma_wait3A_295, %dma_wait3A_296] : memref<32x10x128xi32, #tpu.memory_space<hbm>> -> memref<1x10x128xi32, #tpu.memory_space<hbm>>
      %dma_wait3A_298 = tpu.memref_squeeze %dma_wait3A_297 : memref<1x10x128xi32, #tpu.memory_space<hbm>> -> memref<10x128xi32, #tpu.memory_space<hbm>>
      tpu.wait_dma2 semaphore(%run_scoped3A : memref<!tpu.dma_semaphore, #tpu.memory_space<semaphore_mem>>) src(%dma_wait3A_298 : memref<10x128xi32, #tpu.memory_space<hbm>>) dst(%dma_wait3A_294 : memref<10x128xi32, #tpu.memory_space<vmem>>)
      tpu.yield
    }) : () -> ()
    %scan3A_38 = arith.constant 0 : i32
    %mul3A_39 = arith.constant 1 : i32
    %mul3A_40 = arith.muli %scan3A_38, %mul3A_39 : i32
    %add3A_41 = arith.constant 0 : i32
    %add3A_42 = arith.addi %add3A_41, %mul3A_40 : i32
    %mul3A_43 = arith.constant 10 : i32
    %mul3A_44 = arith.muli %add3A_42, %mul3A_43 : i32
    %add3A_45 = arith.constant 0 : i32
    %add3A_46 = arith.addi %mul3A_44, %add3A_45 : i32
    %dma_start3A_47 = arith.constant 0 : i32
    %dma_start3A_48 = arith.constant 0 : i32
    %dma_start3A_49 = tpu.memref_slice %arg11[%dma_start3A_47, %dma_start3A_48] : memref<1280x64xf32, #tpu.memory_space<vmem>> -> memref<128x64xf32, #tpu.memory_space<vmem>>
    %dma_start3A_50 = arith.constant 0 : i32
    %dma_start3A_51 = tpu.memref_slice %arg10[%add3A_46, %dma_start3A_50] : memref<50x128xi32, #tpu.memory_space<vmem>> -> memref<1x128xi32, #tpu.memory_space<vmem>>
    %dma_start3A_52 = tpu.memref_squeeze %dma_start3A_51 : memref<1x128xi32, #tpu.memory_space<vmem>> -> memref<128xi32, #tpu.memory_space<vmem>>
    %dma_start3A_53 = arith.constant 0 : i32
    %dma_start3A_54 = arith.constant 0 : i32
    %dma_start3A_55 = tpu.memref_slice %arg5[%dma_start3A_53, %dma_start3A_54] : memref<100000x64xf32, #tpu.memory_space<hbm>> -> memref<100000x64xf32, #tpu.memory_space<hbm>>
    tpu.enqueue_indirect_dma source(%dma_start3A_55 : memref<100000x64xf32, #tpu.memory_space<hbm>>) target(%dma_start3A_49 : memref<128x64xf32, #tpu.memory_space<vmem>>) offsets(%dma_start3A_52 : memref<128xi32, #tpu.memory_space<vmem>>) semaphore(%arg12 : memref<!tpu.dma_semaphore, #tpu.memory_space<semaphore_mem>>)
    %mul3A_56 = arith.constant 10 : i32
    %mul3A_57 = arith.muli %add3A_42, %mul3A_56 : i32
    %add3A_58 = arith.constant 1 : i32
    %add3A_59 = arith.addi %mul3A_57, %add3A_58 : i32
    %dma_start3A_60 = arith.constant 128 : i32
    %dma_start3A_61 = arith.constant 0 : i32
    %dma_start3A_62 = tpu.memref_slice %arg11[%dma_start3A_60, %dma_start3A_61] : memref<1280x64xf32, #tpu.memory_space<vmem>> -> memref<128x64xf32, #tpu.memory_space<vmem>>
    %dma_start3A_63 = arith.constant 0 : i32
    %dma_start3A_64 = tpu.memref_slice %arg10[%add3A_59, %dma_start3A_63] : memref<50x128xi32, #tpu.memory_space<vmem>> -> memref<1x128xi32, #tpu.memory_space<vmem>>
    %dma_start3A_65 = tpu.memref_squeeze %dma_start3A_64 : memref<1x128xi32, #tpu.memory_space<vmem>> -> memref<128xi32, #tpu.memory_space<vmem>>
    %dma_start3A_66 = arith.constant 0 : i32
    %dma_start3A_67 = arith.constant 0 : i32
    %dma_start3A_68 = tpu.memref_slice %arg5[%dma_start3A_66, %dma_start3A_67] : memref<100000x64xf32, #tpu.memory_space<hbm>> -> memref<100000x64xf32, #tpu.memory_space<hbm>>
    tpu.enqueue_indirect_dma source(%dma_start3A_68 : memref<100000x64xf32, #tpu.memory_space<hbm>>) target(%dma_start3A_62 : memref<128x64xf32, #tpu.memory_space<vmem>>) offsets(%dma_start3A_65 : memref<128xi32, #tpu.memory_space<vmem>>) semaphore(%arg12 : memref<!tpu.dma_semaphore, #tpu.memory_space<semaphore_mem>>)
    %mul3A_69 = arith.constant 10 : i32
    %mul3A_70 = arith.muli %add3A_42, %mul3A_69 : i32
    %add3A_71 = arith.constant 2 : i32
    %add3A_72 = arith.addi %mul3A_70, %add3A_71 : i32
    %dma_start3A_73 = arith.constant 256 : i32
    %dma_start3A_74 = arith.constant 0 : i32
    %dma_start3A_75 = tpu.memref_slice %arg11[%dma_start3A_73, %dma_start3A_74] : memref<1280x64xf32, #tpu.memory_space<vmem>> -> memref<128x64xf32, #tpu.memory_space<vmem>>
    %dma_start3A_76 = arith.constant 0 : i32
    %dma_start3A_77 = tpu.memref_slice %arg10[%add3A_72, %dma_start3A_76] : memref<50x128xi32, #tpu.memory_space<vmem>> -> memref<1x128xi32, #tpu.memory_space<vmem>>
    %dma_start3A_78 = tpu.memref_squeeze %dma_start3A_77 : memref<1x128xi32, #tpu.memory_space<vmem>> -> memref<128xi32, #tpu.memory_space<vmem>>
    %dma_start3A_79 = arith.constant 0 : i32
    %dma_start3A_80 = arith.constant 0 : i32
    %dma_start3A_81 = tpu.memref_slice %arg5[%dma_start3A_79, %dma_start3A_80] : memref<100000x64xf32, #tpu.memory_space<hbm>> -> memref<100000x64xf32, #tpu.memory_space<hbm>>
    tpu.enqueue_indirect_dma source(%dma_start3A_81 : memref<100000x64xf32, #tpu.memory_space<hbm>>) target(%dma_start3A_75 : memref<128x64xf32, #tpu.memory_space<vmem>>) offsets(%dma_start3A_78 : memref<128xi32, #tpu.memory_space<vmem>>) semaphore(%arg12 : memref<!tpu.dma_semaphore, #tpu.memory_space<semaphore_mem>>)
    %mul3A_82 = arith.constant 10 : i32
    %mul3A_83 = arith.muli %add3A_42, %mul3A_82 : i32
    %add3A_84 = arith.constant 3 : i32
    %add3A_85 = arith.addi %mul3A_83, %add3A_84 : i32
    %dma_start3A_86 = arith.constant 384 : i32
    %dma_start3A_87 = arith.constant 0 : i32
    %dma_start3A_88 = tpu.memref_slice %arg11[%dma_start3A_86, %dma_start3A_87] : memref<1280x64xf32, #tpu.memory_space<vmem>> -> memref<128x64xf32, #tpu.memory_space<vmem>>
    %dma_start3A_89 = arith.constant 0 : i32
    %dma_start3A_90 = tpu.memref_slice %arg10[%add3A_85, %dma_start3A_89] : memref<50x128xi32, #tpu.memory_space<vmem>> -> memref<1x128xi32, #tpu.memory_space<vmem>>
    %dma_start3A_91 = tpu.memref_squeeze %dma_start3A_90 : memref<1x128xi32, #tpu.memory_space<vmem>> -> memref<128xi32, #tpu.memory_space<vmem>>
    %dma_start3A_92 = arith.constant 0 : i32
    %dma_start3A_93 = arith.constant 0 : i32
    %dma_start3A_94 = tpu.memref_slice %arg5[%dma_start3A_92, %dma_start3A_93] : memref<100000x64xf32, #tpu.memory_space<hbm>> -> memref<100000x64xf32, #tpu.memory_space<hbm>>
    tpu.enqueue_indirect_dma source(%dma_start3A_94 : memref<100000x64xf32, #tpu.memory_space<hbm>>) target(%dma_start3A_88 : memref<128x64xf32, #tpu.memory_space<vmem>>) offsets(%dma_start3A_91 : memref<128xi32, #tpu.memory_space<vmem>>) semaphore(%arg12 : memref<!tpu.dma_semaphore, #tpu.memory_space<semaphore_mem>>)
    %mul3A_95 = arith.constant 10 : i32
    %mul3A_96 = arith.muli %add3A_42, %mul3A_95 : i32
    %add3A_97 = arith.constant 4 : i32
    %add3A_98 = arith.addi %mul3A_96, %add3A_97 : i32
    %dma_start3A_99 = arith.constant 512 : i32
    %dma_start3A_100 = arith.constant 0 : i32
    %dma_start3A_101 = tpu.memref_slice %arg11[%dma_start3A_99, %dma_start3A_100] : memref<1280x64xf32, #tpu.memory_space<vmem>> -> memref<128x64xf32, #tpu.memory_space<vmem>>
    %dma_start3A_102 = arith.constant 0 : i32
    %dma_start3A_103 = tpu.memref_slice %arg10[%add3A_98, %dma_start3A_102] : memref<50x128xi32, #tpu.memory_space<vmem>> -> memref<1x128xi32, #tpu.memory_space<vmem>>
    %dma_start3A_104 = tpu.memref_squeeze %dma_start3A_103 : memref<1x128xi32, #tpu.memory_space<vmem>> -> memref<128xi32, #tpu.memory_space<vmem>>
    %dma_start3A_105 = arith.constant 0 : i32
    %dma_start3A_106 = arith.constant 0 : i32
    %dma_start3A_107 = tpu.memref_slice %arg5[%dma_start3A_105, %dma_start3A_106] : memref<100000x64xf32, #tpu.memory_space<hbm>> -> memref<100000x64xf32, #tpu.memory_space<hbm>>
    tpu.enqueue_indirect_dma source(%dma_start3A_107 : memref<100000x64xf32, #tpu.memory_space<hbm>>) target(%dma_start3A_101 : memref<128x64xf32, #tpu.memory_space<vmem>>) offsets(%dma_start3A_104 : memref<128xi32, #tpu.memory_space<vmem>>) semaphore(%arg12 : memref<!tpu.dma_semaphore, #tpu.memory_space<semaphore_mem>>)
    %mul3A_108 = arith.constant 10 : i32
    %mul3A_109 = arith.muli %add3A_42, %mul3A_108 : i32
    %add3A_110 = arith.constant 5 : i32
    %add3A_111 = arith.addi %mul3A_109, %add3A_110 : i32
    %dma_start3A_112 = arith.constant 640 : i32
    %dma_start3A_113 = arith.constant 0 : i32
    %dma_start3A_114 = tpu.memref_slice %arg11[%dma_start3A_112, %dma_start3A_113] : memref<1280x64xf32, #tpu.memory_space<vmem>> -> memref<128x64xf32, #tpu.memory_space<vmem>>
    %dma_start3A_115 = arith.constant 0 : i32
    %dma_start3A_116 = tpu.memref_slice %arg10[%add3A_111, %dma_start3A_115] : memref<50x128xi32, #tpu.memory_space<vmem>> -> memref<1x128xi32, #tpu.memory_space<vmem>>
    %dma_start3A_117 = tpu.memref_squeeze %dma_start3A_116 : memref<1x128xi32, #tpu.memory_space<vmem>> -> memref<128xi32, #tpu.memory_space<vmem>>
    %dma_start3A_118 = arith.constant 0 : i32
    %dma_start3A_119 = arith.constant 0 : i32
    %dma_start3A_120 = tpu.memref_slice %arg5[%dma_start3A_118, %dma_start3A_119] : memref<100000x64xf32, #tpu.memory_space<hbm>> -> memref<100000x64xf32, #tpu.memory_space<hbm>>
    tpu.enqueue_indirect_dma source(%dma_start3A_120 : memref<100000x64xf32, #tpu.memory_space<hbm>>) target(%dma_start3A_114 : memref<128x64xf32, #tpu.memory_space<vmem>>) offsets(%dma_start3A_117 : memref<128xi32, #tpu.memory_space<vmem>>) semaphore(%arg12 : memref<!tpu.dma_semaphore, #tpu.memory_space<semaphore_mem>>)
    %mul3A_121 = arith.constant 10 : i32
    %mul3A_122 = arith.muli %add3A_42, %mul3A_121 : i32
    %add3A_123 = arith.constant 6 : i32
    %add3A_124 = arith.addi %mul3A_122, %add3A_123 : i32
    %dma_start3A_125 = arith.constant 768 : i32
    %dma_start3A_126 = arith.constant 0 : i32
    %dma_start3A_127 = tpu.memref_slice %arg11[%dma_start3A_125, %dma_start3A_126] : memref<1280x64xf32, #tpu.memory_space<vmem>> -> memref<128x64xf32, #tpu.memory_space<vmem>>
    %dma_start3A_128 = arith.constant 0 : i32
    %dma_start3A_129 = tpu.memref_slice %arg10[%add3A_124, %dma_start3A_128] : memref<50x128xi32, #tpu.memory_space<vmem>> -> memref<1x128xi32, #tpu.memory_space<vmem>>
    %dma_start3A_130 = tpu.memref_squeeze %dma_start3A_129 : memref<1x128xi32, #tpu.memory_space<vmem>> -> memref<128xi32, #tpu.memory_space<vmem>>
    %dma_start3A_131 = arith.constant 0 : i32
    %dma_start3A_132 = arith.constant 0 : i32
    %dma_start3A_133 = tpu.memref_slice %arg5[%dma_start3A_131, %dma_start3A_132] : memref<100000x64xf32, #tpu.memory_space<hbm>> -> memref<100000x64xf32, #tpu.memory_space<hbm>>
    tpu.enqueue_indirect_dma source(%dma_start3A_133 : memref<100000x64xf32, #tpu.memory_space<hbm>>) target(%dma_start3A_127 : memref<128x64xf32, #tpu.memory_space<vmem>>) offsets(%dma_start3A_130 : memref<128xi32, #tpu.memory_space<vmem>>) semaphore(%arg12 : memref<!tpu.dma_semaphore, #tpu.memory_space<semaphore_mem>>)
    %mul3A_134 = arith.constant 10 : i32
    %mul3A_135 = arith.muli %add3A_42, %mul3A_134 : i32
    %add3A_136 = arith.constant 7 : i32
    %add3A_137 = arith.addi %mul3A_135, %add3A_136 : i32
    %dma_start3A_138 = arith.constant 896 : i32
    %dma_start3A_139 = arith.constant 0 : i32
    %dma_start3A_140 = tpu.memref_slice %arg11[%dma_start3A_138, %dma_start3A_139] : memref<1280x64xf32, #tpu.memory_space<vmem>> -> memref<128x64xf32, #tpu.memory_space<vmem>>
    %dma_start3A_141 = arith.constant 0 : i32
    %dma_start3A_142 = tpu.memref_slice %arg10[%add3A_137, %dma_start3A_141] : memref<50x128xi32, #tpu.memory_space<vmem>> -> memref<1x128xi32, #tpu.memory_space<vmem>>
    %dma_start3A_143 = tpu.memref_squeeze %dma_start3A_142 : memref<1x128xi32, #tpu.memory_space<vmem>> -> memref<128xi32, #tpu.memory_space<vmem>>
    %dma_start3A_144 = arith.constant 0 : i32
    %dma_start3A_145 = arith.constant 0 : i32
    %dma_start3A_146 = tpu.memref_slice %arg5[%dma_start3A_144, %dma_start3A_145] : memref<100000x64xf32, #tpu.memory_space<hbm>> -> memref<100000x64xf32, #tpu.memory_space<hbm>>
    tpu.enqueue_indirect_dma source(%dma_start3A_146 : memref<100000x64xf32, #tpu.memory_space<hbm>>) target(%dma_start3A_140 : memref<128x64xf32, #tpu.memory_space<vmem>>) offsets(%dma_start3A_143 : memref<128xi32, #tpu.memory_space<vmem>>) semaphore(%arg12 : memref<!tpu.dma_semaphore, #tpu.memory_space<semaphore_mem>>)
    %mul3A_147 = arith.constant 10 : i32
    %mul3A_148 = arith.muli %add3A_42, %mul3A_147 : i32
    %add3A_149 = arith.constant 8 : i32
    %add3A_150 = arith.addi %mul3A_148, %add3A_149 : i32
    %dma_start3A_151 = arith.constant 1024 : i32
    %dma_start3A_152 = arith.constant 0 : i32
    %dma_start3A_153 = tpu.memref_slice %arg11[%dma_start3A_151, %dma_start3A_152] : memref<1280x64xf32, #tpu.memory_space<vmem>> -> memref<128x64xf32, #tpu.memory_space<vmem>>
    %dma_start3A_154 = arith.constant 0 : i32
    %dma_start3A_155 = tpu.memref_slice %arg10[%add3A_150, %dma_start3A_154] : memref<50x128xi32, #tpu.memory_space<vmem>> -> memref<1x128xi32, #tpu.memory_space<vmem>>
    %dma_start3A_156 = tpu.memref_squeeze %dma_start3A_155 : memref<1x128xi32, #tpu.memory_space<vmem>> -> memref<128xi32, #tpu.memory_space<vmem>>
    %dma_start3A_157 = arith.constant 0 : i32
    %dma_start3A_158 = arith.constant 0 : i32
    %dma_start3A_159 = tpu.memref_slice %arg5[%dma_start3A_157, %dma_start3A_158] : memref<100000x64xf32, #tpu.memory_space<hbm>> -> memref<100000x64xf32, #tpu.memory_space<hbm>>
    tpu.enqueue_indirect_dma source(%dma_start3A_159 : memref<100000x64xf32, #tpu.memory_space<hbm>>) target(%dma_start3A_153 : memref<128x64xf32, #tpu.memory_space<vmem>>) offsets(%dma_start3A_156 : memref<128xi32, #tpu.memory_space<vmem>>) semaphore(%arg12 : memref<!tpu.dma_semaphore, #tpu.memory_space<semaphore_mem>>)
    %mul3A_160 = arith.constant 10 : i32
    %mul3A_161 = arith.muli %add3A_42, %mul3A_160 : i32
    %add3A_162 = arith.constant 9 : i32
    %add3A_163 = arith.addi %mul3A_161, %add3A_162 : i32
    %dma_start3A_164 = arith.constant 1152 : i32
    %dma_start3A_165 = arith.constant 0 : i32
    %dma_start3A_166 = tpu.memref_slice %arg11[%dma_start3A_164, %dma_start3A_165] : memref<1280x64xf32, #tpu.memory_space<vmem>> -> memref<128x64xf32, #tpu.memory_space<vmem>>
    %dma_start3A_167 = arith.constant 0 : i32
    %dma_start3A_168 = tpu.memref_slice %arg10[%add3A_163, %dma_start3A_167] : memref<50x128xi32, #tpu.memory_space<vmem>> -> memref<1x128xi32, #tpu.memory_space<vmem>>
    %dma_start3A_169 = tpu.memref_squeeze %dma_start3A_168 : memref<1x128xi32, #tpu.memory_space<vmem>> -> memref<128xi32, #tpu.memory_space<vmem>>
    %dma_start3A_170 = arith.constant 0 : i32
    %dma_start3A_171 = arith.constant 0 : i32
    %dma_start3A_172 = tpu.memref_slice %arg5[%dma_start3A_170, %dma_start3A_171] : memref<100000x64xf32, #tpu.memory_space<hbm>> -> memref<100000x64xf32, #tpu.memory_space<hbm>>
    tpu.enqueue_indirect_dma source(%dma_start3A_172 : memref<100000x64xf32, #tpu.memory_space<hbm>>) target(%dma_start3A_166 : memref<128x64xf32, #tpu.memory_space<vmem>>) offsets(%dma_start3A_169 : memref<128xi32, #tpu.memory_space<vmem>>) semaphore(%arg12 : memref<!tpu.dma_semaphore, #tpu.memory_space<semaphore_mem>>)
    %dma_wait3A_173 = arith.constant 0 : i32
    %dma_wait3A_174 = arith.constant 0 : i32
    %dma_wait3A_175 = tpu.memref_slice %arg11[%dma_wait3A_173, %dma_wait3A_174] : memref<1280x64xf32, #tpu.memory_space<vmem>> -> memref<128x64xf32, #tpu.memory_space<vmem>>
    %dma_wait3A_176 = arith.constant 0 : i32
    %dma_wait3A_177 = tpu.memref_slice %arg10[%add3A_46, %dma_wait3A_176] : memref<50x128xi32, #tpu.memory_space<vmem>> -> memref<1x128xi32, #tpu.memory_space<vmem>>
    %dma_wait3A_178 = tpu.memref_squeeze %dma_wait3A_177 : memref<1x128xi32, #tpu.memory_space<vmem>> -> memref<128xi32, #tpu.memory_space<vmem>>
    %dma_wait3A_179 = arith.constant 0 : i32
    %dma_wait3A_180 = arith.constant 0 : i32
    %dma_wait3A_181 = tpu.memref_slice %arg5[%dma_wait3A_179, %dma_wait3A_180] : memref<100000x64xf32, #tpu.memory_space<hbm>> -> memref<100000x64xf32, #tpu.memory_space<hbm>>
    tpu.wait_indirect_dma semaphore(%arg12 : memref<!tpu.dma_semaphore, #tpu.memory_space<semaphore_mem>>) src(%dma_wait3A_181 : memref<100000x64xf32, #tpu.memory_space<hbm>>) dst(%dma_wait3A_175 : memref<128x64xf32, #tpu.memory_space<vmem>>)
    %dma_wait3A_182 = arith.constant 128 : i32
    %dma_wait3A_183 = arith.constant 0 : i32
    %dma_wait3A_184 = tpu.memref_slice %arg11[%dma_wait3A_182, %dma_wait3A_183] : memref<1280x64xf32, #tpu.memory_space<vmem>> -> memref<128x64xf32, #tpu.memory_space<vmem>>
    %dma_wait3A_185 = arith.constant 0 : i32
    %dma_wait3A_186 = tpu.memref_slice %arg10[%add3A_59, %dma_wait3A_185] : memref<50x128xi32, #tpu.memory_space<vmem>> -> memref<1x128xi32, #tpu.memory_space<vmem>>
    %dma_wait3A_187 = tpu.memref_squeeze %dma_wait3A_186 : memref<1x128xi32, #tpu.memory_space<vmem>> -> memref<128xi32, #tpu.memory_space<vmem>>
    %dma_wait3A_188 = arith.constant 0 : i32
    %dma_wait3A_189 = arith.constant 0 : i32
    %dma_wait3A_190 = tpu.memref_slice %arg5[%dma_wait3A_188, %dma_wait3A_189] : memref<100000x64xf32, #tpu.memory_space<hbm>> -> memref<100000x64xf32, #tpu.memory_space<hbm>>
    tpu.wait_indirect_dma semaphore(%arg12 : memref<!tpu.dma_semaphore, #tpu.memory_space<semaphore_mem>>) src(%dma_wait3A_190 : memref<100000x64xf32, #tpu.memory_space<hbm>>) dst(%dma_wait3A_184 : memref<128x64xf32, #tpu.memory_space<vmem>>)
    %dma_wait3A_191 = arith.constant 256 : i32
    %dma_wait3A_192 = arith.constant 0 : i32
    %dma_wait3A_193 = tpu.memref_slice %arg11[%dma_wait3A_191, %dma_wait3A_192] : memref<1280x64xf32, #tpu.memory_space<vmem>> -> memref<128x64xf32, #tpu.memory_space<vmem>>
    %dma_wait3A_194 = arith.constant 0 : i32
    %dma_wait3A_195 = tpu.memref_slice %arg10[%add3A_72, %dma_wait3A_194] : memref<50x128xi32, #tpu.memory_space<vmem>> -> memref<1x128xi32, #tpu.memory_space<vmem>>
    %dma_wait3A_196 = tpu.memref_squeeze %dma_wait3A_195 : memref<1x128xi32, #tpu.memory_space<vmem>> -> memref<128xi32, #tpu.memory_space<vmem>>
    %dma_wait3A_197 = arith.constant 0 : i32
    %dma_wait3A_198 = arith.constant 0 : i32
    %dma_wait3A_199 = tpu.memref_slice %arg5[%dma_wait3A_197, %dma_wait3A_198] : memref<100000x64xf32, #tpu.memory_space<hbm>> -> memref<100000x64xf32, #tpu.memory_space<hbm>>
    tpu.wait_indirect_dma semaphore(%arg12 : memref<!tpu.dma_semaphore, #tpu.memory_space<semaphore_mem>>) src(%dma_wait3A_199 : memref<100000x64xf32, #tpu.memory_space<hbm>>) dst(%dma_wait3A_193 : memref<128x64xf32, #tpu.memory_space<vmem>>)
    %dma_wait3A_200 = arith.constant 384 : i32
    %dma_wait3A_201 = arith.constant 0 : i32
    %dma_wait3A_202 = tpu.memref_slice %arg11[%dma_wait3A_200, %dma_wait3A_201] : memref<1280x64xf32, #tpu.memory_space<vmem>> -> memref<128x64xf32, #tpu.memory_space<vmem>>
    %dma_wait3A_203 = arith.constant 0 : i32
    %dma_wait3A_204 = tpu.memref_slice %arg10[%add3A_85, %dma_wait3A_203] : memref<50x128xi32, #tpu.memory_space<vmem>> -> memref<1x128xi32, #tpu.memory_space<vmem>>
    %dma_wait3A_205 = tpu.memref_squeeze %dma_wait3A_204 : memref<1x128xi32, #tpu.memory_space<vmem>> -> memref<128xi32, #tpu.memory_space<vmem>>
    %dma_wait3A_206 = arith.constant 0 : i32
    %dma_wait3A_207 = arith.constant 0 : i32
    %dma_wait3A_208 = tpu.memref_slice %arg5[%dma_wait3A_206, %dma_wait3A_207] : memref<100000x64xf32, #tpu.memory_space<hbm>> -> memref<100000x64xf32, #tpu.memory_space<hbm>>
    tpu.wait_indirect_dma semaphore(%arg12 : memref<!tpu.dma_semaphore, #tpu.memory_space<semaphore_mem>>) src(%dma_wait3A_208 : memref<100000x64xf32, #tpu.memory_space<hbm>>) dst(%dma_wait3A_202 : memref<128x64xf32, #tpu.memory_space<vmem>>)
    %dma_wait3A_209 = arith.constant 512 : i32
    %dma_wait3A_210 = arith.constant 0 : i32
    %dma_wait3A_211 = tpu.memref_slice %arg11[%dma_wait3A_209, %dma_wait3A_210] : memref<1280x64xf32, #tpu.memory_space<vmem>> -> memref<128x64xf32, #tpu.memory_space<vmem>>
    %dma_wait3A_212 = arith.constant 0 : i32
    %dma_wait3A_213 = tpu.memref_slice %arg10[%add3A_98, %dma_wait3A_212] : memref<50x128xi32, #tpu.memory_space<vmem>> -> memref<1x128xi32, #tpu.memory_space<vmem>>
    %dma_wait3A_214 = tpu.memref_squeeze %dma_wait3A_213 : memref<1x128xi32, #tpu.memory_space<vmem>> -> memref<128xi32, #tpu.memory_space<vmem>>
    %dma_wait3A_215 = arith.constant 0 : i32
    %dma_wait3A_216 = arith.constant 0 : i32
    %dma_wait3A_217 = tpu.memref_slice %arg5[%dma_wait3A_215, %dma_wait3A_216] : memref<100000x64xf32, #tpu.memory_space<hbm>> -> memref<100000x64xf32, #tpu.memory_space<hbm>>
    tpu.wait_indirect_dma semaphore(%arg12 : memref<!tpu.dma_semaphore, #tpu.memory_space<semaphore_mem>>) src(%dma_wait3A_217 : memref<100000x64xf32, #tpu.memory_space<hbm>>) dst(%dma_wait3A_211 : memref<128x64xf32, #tpu.memory_space<vmem>>)
    %dma_wait3A_218 = arith.constant 640 : i32
    %dma_wait3A_219 = arith.constant 0 : i32
    %dma_wait3A_220 = tpu.memref_slice %arg11[%dma_wait3A_218, %dma_wait3A_219] : memref<1280x64xf32, #tpu.memory_space<vmem>> -> memref<128x64xf32, #tpu.memory_space<vmem>>
    %dma_wait3A_221 = arith.constant 0 : i32
    %dma_wait3A_222 = tpu.memref_slice %arg10[%add3A_111, %dma_wait3A_221] : memref<50x128xi32, #tpu.memory_space<vmem>> -> memref<1x128xi32, #tpu.memory_space<vmem>>
    %dma_wait3A_223 = tpu.memref_squeeze %dma_wait3A_222 : memref<1x128xi32, #tpu.memory_space<vmem>> -> memref<128xi32, #tpu.memory_space<vmem>>
    %dma_wait3A_224 = arith.constant 0 : i32
    %dma_wait3A_225 = arith.constant 0 : i32
    %dma_wait3A_226 = tpu.memref_slice %arg5[%dma_wait3A_224, %dma_wait3A_225] : memref<100000x64xf32, #tpu.memory_space<hbm>> -> memref<100000x64xf32, #tpu.memory_space<hbm>>
    tpu.wait_indirect_dma semaphore(%arg12 : memref<!tpu.dma_semaphore, #tpu.memory_space<semaphore_mem>>) src(%dma_wait3A_226 : memref<100000x64xf32, #tpu.memory_space<hbm>>) dst(%dma_wait3A_220 : memref<128x64xf32, #tpu.memory_space<vmem>>)
    %dma_wait3A_227 = arith.constant 768 : i32
    %dma_wait3A_228 = arith.constant 0 : i32
    %dma_wait3A_229 = tpu.memref_slice %arg11[%dma_wait3A_227, %dma_wait3A_228] : memref<1280x64xf32, #tpu.memory_space<vmem>> -> memref<128x64xf32, #tpu.memory_space<vmem>>
    %dma_wait3A_230 = arith.constant 0 : i32
    %dma_wait3A_231 = tpu.memref_slice %arg10[%add3A_124, %dma_wait3A_230] : memref<50x128xi32, #tpu.memory_space<vmem>> -> memref<1x128xi32, #tpu.memory_space<vmem>>
    %dma_wait3A_232 = tpu.memref_squeeze %dma_wait3A_231 : memref<1x128xi32, #tpu.memory_space<vmem>> -> memref<128xi32, #tpu.memory_space<vmem>>
    %dma_wait3A_233 = arith.constant 0 : i32
    %dma_wait3A_234 = arith.constant 0 : i32
    %dma_wait3A_235 = tpu.memref_slice %arg5[%dma_wait3A_233, %dma_wait3A_234] : memref<100000x64xf32, #tpu.memory_space<hbm>> -> memref<100000x64xf32, #tpu.memory_space<hbm>>
    tpu.wait_indirect_dma semaphore(%arg12 : memref<!tpu.dma_semaphore, #tpu.memory_space<semaphore_mem>>) src(%dma_wait3A_235 : memref<100000x64xf32, #tpu.memory_space<hbm>>) dst(%dma_wait3A_229 : memref<128x64xf32, #tpu.memory_space<vmem>>)
    %dma_wait3A_236 = arith.constant 896 : i32
    %dma_wait3A_237 = arith.constant 0 : i32
    %dma_wait3A_238 = tpu.memref_slice %arg11[%dma_wait3A_236, %dma_wait3A_237] : memref<1280x64xf32, #tpu.memory_space<vmem>> -> memref<128x64xf32, #tpu.memory_space<vmem>>
    %dma_wait3A_239 = arith.constant 0 : i32
    %dma_wait3A_240 = tpu.memref_slice %arg10[%add3A_137, %dma_wait3A_239] : memref<50x128xi32, #tpu.memory_space<vmem>> -> memref<1x128xi32, #tpu.memory_space<vmem>>
    %dma_wait3A_241 = tpu.memref_squeeze %dma_wait3A_240 : memref<1x128xi32, #tpu.memory_space<vmem>> -> memref<128xi32, #tpu.memory_space<vmem>>
    %dma_wait3A_242 = arith.constant 0 : i32
    %dma_wait3A_243 = arith.constant 0 : i32
    %dma_wait3A_244 = tpu.memref_slice %arg5[%dma_wait3A_242, %dma_wait3A_243] : memref<100000x64xf32, #tpu.memory_space<hbm>> -> memref<100000x64xf32, #tpu.memory_space<hbm>>
    tpu.wait_indirect_dma semaphore(%arg12 : memref<!tpu.dma_semaphore, #tpu.memory_space<semaphore_mem>>) src(%dma_wait3A_244 : memref<100000x64xf32, #tpu.memory_space<hbm>>) dst(%dma_wait3A_238 : memref<128x64xf32, #tpu.memory_space<vmem>>)
    %dma_wait3A_245 = arith.constant 1024 : i32
    %dma_wait3A_246 = arith.constant 0 : i32
    %dma_wait3A_247 = tpu.memref_slice %arg11[%dma_wait3A_245, %dma_wait3A_246] : memref<1280x64xf32, #tpu.memory_space<vmem>> -> memref<128x64xf32, #tpu.memory_space<vmem>>
    %dma_wait3A_248 = arith.constant 0 : i32
    %dma_wait3A_249 = tpu.memref_slice %arg10[%add3A_150, %dma_wait3A_248] : memref<50x128xi32, #tpu.memory_space<vmem>> -> memref<1x128xi32, #tpu.memory_space<vmem>>
    %dma_wait3A_250 = tpu.memref_squeeze %dma_wait3A_249 : memref<1x128xi32, #tpu.memory_space<vmem>> -> memref<128xi32, #tpu.memory_space<vmem>>
    %dma_wait3A_251 = arith.constant 0 : i32
    %dma_wait3A_252 = arith.constant 0 : i32
    %dma_wait3A_253 = tpu.memref_slice %arg5[%dma_wait3A_251, %dma_wait3A_252] : memref<100000x64xf32, #tpu.memory_space<hbm>> -> memref<100000x64xf32, #tpu.memory_space<hbm>>
    tpu.wait_indirect_dma semaphore(%arg12 : memref<!tpu.dma_semaphore, #tpu.memory_space<semaphore_mem>>) src(%dma_wait3A_253 : memref<100000x64xf32, #tpu.memory_space<hbm>>) dst(%dma_wait3A_247 : memref<128x64xf32, #tpu.memory_space<vmem>>)
    %dma_wait3A_254 = arith.constant 1152 : i32
    %dma_wait3A_255 = arith.constant 0 : i32
    %dma_wait3A_256 = tpu.memref_slice %arg11[%dma_wait3A_254, %dma_wait3A_255] : memref<1280x64xf32, #tpu.memory_space<vmem>> -> memref<128x64xf32, #tpu.memory_space<vmem>>
    %dma_wait3A_257 = arith.constant 0 : i32
    %dma_wait3A_258 = tpu.memref_slice %arg10[%add3A_163, %dma_wait3A_257] : memref<50x128xi32, #tpu.memory_space<vmem>> -> memref<1x128xi32, #tpu.memory_space<vmem>>
    %dma_wait3A_259 = tpu.memref_squeeze %dma_wait3A_258 : memref<1x128xi32, #tpu.memory_space<vmem>> -> memref<128xi32, #tpu.memory_space<vmem>>
    %dma_wait3A_260 = arith.constant 0 : i32
    %dma_wait3A_261 = arith.constant 0 : i32
    %dma_wait3A_262 = tpu.memref_slice %arg5[%dma_wait3A_260, %dma_wait3A_261] : memref<100000x64xf32, #tpu.memory_space<hbm>> -> memref<100000x64xf32, #tpu.memory_space<hbm>>
    tpu.wait_indirect_dma semaphore(%arg12 : memref<!tpu.dma_semaphore, #tpu.memory_space<semaphore_mem>>) src(%dma_wait3A_262 : memref<100000x64xf32, #tpu.memory_space<hbm>>) dst(%dma_wait3A_256 : memref<128x64xf32, #tpu.memory_space<vmem>>)
    %mul3A_263 = arith.constant 10 : i32
    %mul3A_264 = arith.muli %add3A, %mul3A_263 : i32
    %mul3A_265 = arith.constant 10 : i32
    %mul3A_266 = arith.muli %add3A_42, %mul3A_265 : i32
    %add3A_267 = arith.addi %mul3A_264, %mul3A_266 : i32
    %mul3A_268 = arith.constant 128 : i32
    %mul3A_269 = arith.muli %add3A_267, %mul3A_268 : i32
    "tpu.region"() ({
      %run_scoped3A = tpu.sem_alloc : memref<!tpu.dma_semaphore, #tpu.memory_space<semaphore_mem>>
      %dma_start3A_271 = arith.constant 0 : i32
      %dma_start3A_272 = arith.constant 0 : i32
      %dma_start3A_273 = tpu.memref_slice %arg11[%dma_start3A_271, %dma_start3A_272] : memref<1280x64xf32, #tpu.memory_space<vmem>> -> memref<1280x64xf32, #tpu.memory_space<vmem>>
      %dma_start3A_274 = arith.constant 0 : i32
      %dma_start3A_275 = tpu.memref_slice %arg9[%mul3A_269, %dma_start3A_274] : memref<40960x64xf32, #tpu.memory_space<hbm>> -> memref<1280x64xf32, #tpu.memory_space<hbm>>
      %dma_start3A_276 = arith.constant 0 : i32
      %dma_start3A_277 = tpu.memref_slice %arg9[%mul3A_269, %dma_start3A_276] : memref<40960x64xf32, #tpu.memory_space<hbm>> -> memref<1280x64xf32, #tpu.memory_space<hbm>>
      %dma_start3A_278 = arith.constant 0 : i32
      %dma_start3A_279 = arith.constant 0 : i32
      %dma_start3A_280 = tpu.memref_slice %arg11[%dma_start3A_278, %dma_start3A_279] : memref<1280x64xf32, #tpu.memory_space<vmem>> -> memref<1280x64xf32, #tpu.memory_space<vmem>>
      tpu.enqueue_dma source(%dma_start3A_280 : memref<1280x64xf32, #tpu.memory_space<vmem>>) target(%dma_start3A_277 : memref<1280x64xf32, #tpu.memory_space<hbm>>) target_semaphore(%run_scoped3A : memref<!tpu.dma_semaphore, #tpu.memory_space<semaphore_mem>>)
      %dma_wait3A_281 = arith.constant 0 : i32
      %dma_wait3A_282 = arith.constant 0 : i32
      %dma_wait3A_283 = tpu.memref_slice %arg11[%dma_wait3A_281, %dma_wait3A_282] : memref<1280x64xf32, #tpu.memory_space<vmem>> -> memref<1280x64xf32, #tpu.memory_space<vmem>>
      %dma_wait3A_284 = arith.constant 0 : i32
      %dma_wait3A_285 = tpu.memref_slice %arg9[%mul3A_269, %dma_wait3A_284] : memref<40960x64xf32, #tpu.memory_space<hbm>> -> memref<1280x64xf32, #tpu.memory_space<hbm>>
      %dma_wait3A_286 = arith.constant 0 : i32
      %dma_wait3A_287 = tpu.memref_slice %arg9[%mul3A_269, %dma_wait3A_286] : memref<40960x64xf32, #tpu.memory_space<hbm>> -> memref<1280x64xf32, #tpu.memory_space<hbm>>
      %dma_wait3A_288 = arith.constant 0 : i32
      %dma_wait3A_289 = arith.constant 0 : i32
      %dma_wait3A_290 = tpu.memref_slice %arg11[%dma_wait3A_288, %dma_wait3A_289] : memref<1280x64xf32, #tpu.memory_space<vmem>> -> memref<1280x64xf32, #tpu.memory_space<vmem>>
      tpu.wait_dma2 semaphore(%run_scoped3A : memref<!tpu.dma_semaphore, #tpu.memory_space<semaphore_mem>>) src(%dma_wait3A_290 : memref<1280x64xf32, #tpu.memory_space<vmem>>) dst(%dma_wait3A_287 : memref<1280x64xf32, #tpu.memory_space<hbm>>)
      tpu.yield
    }) : () -> ()
    %scan3A_270 = arith.constant 1 : i32
    return
  }
}

module attributes {stable_mosaic.version = 14 : i64} {
  func.func @_tc_body(%arg0: i32, %arg1: memref<50x256x64xf32, #tpu.memory_space<vmem>>, %arg2: memref<256x64xf32, #tpu.memory_space<vmem>>, %arg3: memref<256x8xf32, #tpu.memory_space<vmem>>, %arg4: memref<256x640xf32, #tpu.memory_space<vmem>>, %arg5: memref<64x80xf32, #tpu.memory_space<vmem>>, %arg6: memref<64x80xf32, #tpu.memory_space<vmem>>, %arg7: memref<64x80xf32, #tpu.memory_space<vmem>>, %arg8: memref<1x80xf32, #tpu.memory_space<vmem>>, %arg9: memref<80x40xf32, #tpu.memory_space<vmem>>, %arg10: memref<1x40xf32, #tpu.memory_space<vmem>>, %arg11: memref<40x1xf32, #tpu.memory_space<vmem>>, %arg12: memref<64x256xf32, #tpu.memory_space<vmem>>, %arg13: memref<64x256xf32, #tpu.memory_space<vmem>>, %arg14: memref<8x256xf32, #tpu.memory_space<vmem>>, %arg15: memref<640x256xf32, #tpu.memory_space<vmem>>, %arg16: memref<1x256xf32, #tpu.memory_space<vmem>>, %arg17: memref<1x256xf32, #tpu.memory_space<vmem>>, %arg18: memref<256x128xf32, #tpu.memory_space<vmem>>, %arg19: memref<1x128xf32, #tpu.memory_space<vmem>>, %arg20: memref<1x128xf32, #tpu.memory_space<vmem>>, %arg21: memref<128x1xf32, #tpu.memory_space<vmem>>, %arg22: memref<1x1xf32, #tpu.memory_space<vmem>>, %arg23: memref<256x1xf32, #tpu.memory_space<vmem>>) attributes {dimension_semantics = [#tpu.dimension_semantics<arbitrary>], iteration_bounds = array<i64: 16>, scalar_prefetch = 0 : i64, scratch_operands = 0 : i64, tpu.core_type = #tpu.core_type<tc>, window_params = [{transform_indices = @transform_0, window_bounds = array<i64: 50, 256, 64>}, {transform_indices = @transform_1, window_bounds = array<i64: 256, 64>}, {transform_indices = @transform_2, window_bounds = array<i64: 256, 8>}, {transform_indices = @transform_3, window_bounds = array<i64: 256, 640>}, {pipeline_mode = #tpu.pipeline_mode<synchronous>, transform_indices = @transform_4, window_bounds = array<i64: 64, 80>}, {pipeline_mode = #tpu.pipeline_mode<synchronous>, transform_indices = @transform_5, window_bounds = array<i64: 64, 80>}, {pipeline_mode = #tpu.pipeline_mode<synchronous>, transform_indices = @transform_6, window_bounds = array<i64: 64, 80>}, {pipeline_mode = #tpu.pipeline_mode<synchronous>, transform_indices = @transform_7, window_bounds = array<i64: 1, 80>}, {pipeline_mode = #tpu.pipeline_mode<synchronous>, transform_indices = @transform_8, window_bounds = array<i64: 80, 40>}, {pipeline_mode = #tpu.pipeline_mode<synchronous>, transform_indices = @transform_9, window_bounds = array<i64: 1, 40>}, {pipeline_mode = #tpu.pipeline_mode<synchronous>, transform_indices = @transform_10, window_bounds = array<i64: 40, 1>}, {pipeline_mode = #tpu.pipeline_mode<synchronous>, transform_indices = @transform_11, window_bounds = array<i64: 64, 256>}, {pipeline_mode = #tpu.pipeline_mode<synchronous>, transform_indices = @transform_12, window_bounds = array<i64: 64, 256>}, {pipeline_mode = #tpu.pipeline_mode<synchronous>, transform_indices = @transform_13, window_bounds = array<i64: 8, 256>}, {pipeline_mode = #tpu.pipeline_mode<synchronous>, transform_indices = @transform_14, window_bounds = array<i64: 640, 256>}, {pipeline_mode = #tpu.pipeline_mode<synchronous>, transform_indices = @transform_15, window_bounds = array<i64: 1, 256>}, {pipeline_mode = #tpu.pipeline_mode<synchronous>, transform_indices = @transform_16, window_bounds = array<i64: 1, 256>}, {pipeline_mode = #tpu.pipeline_mode<synchronous>, transform_indices = @transform_17, window_bounds = array<i64: 256, 128>}, {pipeline_mode = #tpu.pipeline_mode<synchronous>, transform_indices = @transform_18, window_bounds = array<i64: 1, 128>}, {pipeline_mode = #tpu.pipeline_mode<synchronous>, transform_indices = @transform_19, window_bounds = array<i64: 1, 128>}, {pipeline_mode = #tpu.pipeline_mode<synchronous>, transform_indices = @transform_20, window_bounds = array<i64: 128, 1>}, {pipeline_mode = #tpu.pipeline_mode<synchronous>, transform_indices = @transform_21, window_bounds = array<i64: 1, 1>}, {transform_indices = @transform_22, window_bounds = array<i64: 256, 1>}]} {
    %get3A = arith.constant 0 : index
    %get3A_0 = arith.constant 0 : index
    %get3A_1 = arith.constant 0 : index
    %get3A_2 = vector.load %arg1[%get3A, %get3A_0, %get3A_1] : memref<50x256x64xf32, #tpu.memory_space<vmem>>, vector<50x256x64xf32>
    %get3A_3 = arith.constant 0 : index
    %get3A_4 = arith.constant 0 : index
    %get3A_5 = vector.load %arg2[%get3A_3, %get3A_4] : memref<256x64xf32, #tpu.memory_space<vmem>>, vector<256x64xf32>
    %reshape3A = vector.shape_cast %get3A_2 : vector<50x256x64xf32> to vector<12800x64xf32>
    %broadcast_in_dim3A = vector.shape_cast %get3A_5 : vector<256x64xf32> to vector<1x256x64xf32>
    %mul3A = vector.broadcast %broadcast_in_dim3A : vector<1x256x64xf32> to vector<50x256x64xf32>
    %mul3A_6 = arith.mulf %mul3A, %get3A_2 : vector<50x256x64xf32>
    %reshape3A_7 = vector.shape_cast %mul3A_6 : vector<50x256x64xf32> to vector<12800x64xf32>
    %get3A_8 = arith.constant 0 : index
    %get3A_9 = arith.constant 0 : index
    %get3A_10 = vector.load %arg6[%get3A_8, %get3A_9] : memref<64x80xf32, #tpu.memory_space<vmem>>, vector<64x80xf32>
    %dot_general3A = arith.constant dense<0.000000e+00> : vector<12800x80xf32>
    %dot_general3A_11 = tpu.matmul %reshape3A, %get3A_10, %dot_general3A {dimension_numbers = #tpu.dot_dimension_numbers<[1], [0], [0], [1], [0, 0, 1, 1], [], []>, transpose_lhs_hint = false} : vector<12800x64xf32>, vector<64x80xf32>, vector<12800x80xf32> -> vector<12800x80xf32>
    %get3A_12 = arith.constant 0 : index
    %get3A_13 = arith.constant 0 : index
    %get3A_14 = vector.load %arg7[%get3A_12, %get3A_13] : memref<64x80xf32, #tpu.memory_space<vmem>>, vector<64x80xf32>
    %dot_general3A_15 = arith.constant dense<0.000000e+00> : vector<12800x80xf32>
    %dot_general3A_16 = tpu.matmul %reshape3A_7, %get3A_14, %dot_general3A_15 {dimension_numbers = #tpu.dot_dimension_numbers<[1], [0], [0], [1], [0, 0, 1, 1], [], []>, transpose_lhs_hint = false} : vector<12800x64xf32>, vector<64x80xf32>, vector<12800x80xf32> -> vector<12800x80xf32>
    %add3A = arith.addf %dot_general3A_11, %dot_general3A_16 : vector<12800x80xf32>
    %get3A_17 = arith.constant 0 : index
    %get3A_18 = arith.constant 0 : index
    %get3A_19 = vector.load %arg5[%get3A_17, %get3A_18] : memref<64x80xf32, #tpu.memory_space<vmem>>, vector<64x80xf32>
    %dot_general3A_20 = arith.constant dense<0.000000e+00> : vector<256x80xf32>
    %dot_general3A_21 = tpu.matmul %get3A_5, %get3A_19, %dot_general3A_20 {dimension_numbers = #tpu.dot_dimension_numbers<[1], [0], [0], [1], [0, 0, 1, 1], [], []>, transpose_lhs_hint = false} : vector<256x64xf32>, vector<64x80xf32>, vector<256x80xf32> -> vector<256x80xf32>
    %get3A_22 = arith.constant 0 : index
    %get3A_23 = arith.constant 0 : index
    %get3A_24 = vector.load %arg8[%get3A_22, %get3A_23] : memref<1x80xf32, #tpu.memory_space<vmem>>, vector<1x80xf32>
    %add3A_25 = vector.broadcast %get3A_24 : vector<1x80xf32> to vector<256x80xf32>
    %add3A_26 = arith.addf %dot_general3A_21, %add3A_25 : vector<256x80xf32>
    %reshape3A_27 = vector.shape_cast %add3A : vector<12800x80xf32> to vector<50x256x80xf32>
    %broadcast_in_dim3A_28 = vector.shape_cast %add3A_26 : vector<256x80xf32> to vector<1x256x80xf32>
    %add3A_29 = vector.broadcast %broadcast_in_dim3A_28 : vector<1x256x80xf32> to vector<50x256x80xf32>
    %add3A_30 = arith.addf %reshape3A_27, %add3A_29 : vector<50x256x80xf32>
    %mul3A_31 = arith.constant 5.000000e-01 : f32
    %mul3A_32 = vector.broadcast %mul3A_31 : f32 to vector<50x256x80xf32>
    %mul3A_33 = arith.mulf %mul3A_32, %add3A_30 : vector<50x256x80xf32>
    %tanh3A = math.tanh %mul3A_33 : vector<50x256x80xf32>
    %mul3A_34 = arith.constant 5.000000e-01 : f32
    %mul3A_35 = vector.broadcast %mul3A_34 : f32 to vector<50x256x80xf32>
    %mul3A_36 = arith.mulf %mul3A_35, %tanh3A : vector<50x256x80xf32>
    %add3A_37 = arith.constant 5.000000e-01 : f32
    %add3A_38 = vector.broadcast %add3A_37 : f32 to vector<50x256x80xf32>
    %add3A_39 = arith.addf %mul3A_36, %add3A_38 : vector<50x256x80xf32>
    %reshape3A_40 = vector.shape_cast %add3A_39 : vector<50x256x80xf32> to vector<12800x80xf32>
    %get3A_41 = arith.constant 0 : index
    %get3A_42 = arith.constant 0 : index
    %get3A_43 = vector.load %arg9[%get3A_41, %get3A_42] : memref<80x40xf32, #tpu.memory_space<vmem>>, vector<80x40xf32>
    %dot_general3A_44 = arith.constant dense<0.000000e+00> : vector<12800x40xf32>
    %dot_general3A_45 = tpu.matmul %reshape3A_40, %get3A_43, %dot_general3A_44 {dimension_numbers = #tpu.dot_dimension_numbers<[1], [0], [0], [1], [0, 0, 1, 1], [], []>, transpose_lhs_hint = false} : vector<12800x80xf32>, vector<80x40xf32>, vector<12800x40xf32> -> vector<12800x40xf32>
    %get3A_46 = arith.constant 0 : index
    %get3A_47 = arith.constant 0 : index
    %get3A_48 = vector.load %arg10[%get3A_46, %get3A_47] : memref<1x40xf32, #tpu.memory_space<vmem>>, vector<1x40xf32>
    %add3A_49 = vector.broadcast %get3A_48 : vector<1x40xf32> to vector<12800x40xf32>
    %add3A_50 = arith.addf %dot_general3A_45, %add3A_49 : vector<12800x40xf32>
    %mul3A_51 = arith.constant 5.000000e-01 : f32
    %mul3A_52 = vector.broadcast %mul3A_51 : f32 to vector<12800x40xf32>
    %mul3A_53 = arith.mulf %mul3A_52, %add3A_50 : vector<12800x40xf32>
    %tanh3A_54 = math.tanh %mul3A_53 : vector<12800x40xf32>
    %mul3A_55 = arith.constant 5.000000e-01 : f32
    %mul3A_56 = vector.broadcast %mul3A_55 : f32 to vector<12800x40xf32>
    %mul3A_57 = arith.mulf %mul3A_56, %tanh3A_54 : vector<12800x40xf32>
    %add3A_58 = arith.constant 5.000000e-01 : f32
    %add3A_59 = vector.broadcast %add3A_58 : f32 to vector<12800x40xf32>
    %add3A_60 = arith.addf %mul3A_57, %add3A_59 : vector<12800x40xf32>
    %get3A_61 = arith.constant 0 : index
    %get3A_62 = arith.constant 0 : index
    %get3A_63 = vector.load %arg11[%get3A_61, %get3A_62] : memref<40x1xf32, #tpu.memory_space<vmem>>, vector<40x1xf32>
    %dot_general3A_64 = arith.constant dense<0.000000e+00> : vector<12800x1xf32>
    %dot_general3A_65 = tpu.matmul %add3A_60, %get3A_63, %dot_general3A_64 {dimension_numbers = #tpu.dot_dimension_numbers<[1], [0], [0], [1], [0, 0, 1, 1], [], []>, transpose_lhs_hint = false} : vector<12800x40xf32>, vector<40x1xf32>, vector<12800x1xf32> -> vector<12800x1xf32>
    %exp3A = math.exp %dot_general3A_65 : vector<12800x1xf32>
    %reshape3A_66 = vector.shape_cast %exp3A : vector<12800x1xf32> to vector<50x256x1xf32>
    %reduce_sum3A = arith.constant dense<0.000000e+00> : vector<256x1xf32>
    %reduce_sum3A_67 = vector.multi_reduction <add>, %reshape3A_66, %reduce_sum3A [0] : vector<50x256x1xf32> to vector<256x1xf32>
    %mul3A_68 = vector.broadcast %reshape3A_66 : vector<50x256x1xf32> to vector<50x256x64xf32>
    %mul3A_69 = arith.mulf %mul3A_68, %get3A_2 : vector<50x256x64xf32>
    %reduce_sum3A_70 = arith.constant dense<0.000000e+00> : vector<256x64xf32>
    %reduce_sum3A_71 = vector.multi_reduction <add>, %mul3A_69, %reduce_sum3A_70 [0] : vector<50x256x64xf32> to vector<256x64xf32>
    %div3A = vector.broadcast %reduce_sum3A_67 : vector<256x1xf32> to vector<256x64xf32>
    %div3A_72 = arith.divf %reduce_sum3A_71, %div3A : vector<256x64xf32>
    %get3A_73 = arith.constant 0 : index
    %get3A_74 = arith.constant 0 : index
    %get3A_75 = vector.load %arg12[%get3A_73, %get3A_74] : memref<64x256xf32, #tpu.memory_space<vmem>>, vector<64x256xf32>
    %dot_general3A_76 = arith.constant dense<0.000000e+00> : vector<256x256xf32>
    %dot_general3A_77 = tpu.matmul %div3A_72, %get3A_75, %dot_general3A_76 {dimension_numbers = #tpu.dot_dimension_numbers<[1], [0], [0], [1], [0, 0, 1, 1], [], []>, transpose_lhs_hint = false} : vector<256x64xf32>, vector<64x256xf32>, vector<256x256xf32> -> vector<256x256xf32>
    %get3A_78 = arith.constant 0 : index
    %get3A_79 = arith.constant 0 : index
    %get3A_80 = vector.load %arg13[%get3A_78, %get3A_79] : memref<64x256xf32, #tpu.memory_space<vmem>>, vector<64x256xf32>
    %dot_general3A_81 = arith.constant dense<0.000000e+00> : vector<256x256xf32>
    %dot_general3A_82 = tpu.matmul %get3A_5, %get3A_80, %dot_general3A_81 {dimension_numbers = #tpu.dot_dimension_numbers<[1], [0], [0], [1], [0, 0, 1, 1], [], []>, transpose_lhs_hint = false} : vector<256x64xf32>, vector<64x256xf32>, vector<256x256xf32> -> vector<256x256xf32>
    %add3A_83 = arith.addf %dot_general3A_77, %dot_general3A_82 : vector<256x256xf32>
    %get3A_84 = arith.constant 0 : index
    %get3A_85 = arith.constant 0 : index
    %get3A_86 = vector.load %arg3[%get3A_84, %get3A_85] : memref<256x8xf32, #tpu.memory_space<vmem>>, vector<256x8xf32>
    %get3A_87 = arith.constant 0 : index
    %get3A_88 = arith.constant 0 : index
    %get3A_89 = vector.load %arg14[%get3A_87, %get3A_88] : memref<8x256xf32, #tpu.memory_space<vmem>>, vector<8x256xf32>
    %dot_general3A_90 = arith.constant dense<0.000000e+00> : vector<256x256xf32>
    %dot_general3A_91 = tpu.matmul %get3A_86, %get3A_89, %dot_general3A_90 {dimension_numbers = #tpu.dot_dimension_numbers<[1], [0], [0], [1], [0, 0, 1, 1], [], []>, transpose_lhs_hint = false} : vector<256x8xf32>, vector<8x256xf32>, vector<256x256xf32> -> vector<256x256xf32>
    %add3A_92 = arith.addf %add3A_83, %dot_general3A_91 : vector<256x256xf32>
    %get3A_93 = arith.constant 0 : index
    %get3A_94 = arith.constant 0 : index
    %get3A_95 = vector.load %arg4[%get3A_93, %get3A_94] : memref<256x640xf32, #tpu.memory_space<vmem>>, vector<256x640xf32>
    %get3A_96 = arith.constant 0 : index
    %get3A_97 = arith.constant 0 : index
    %get3A_98 = vector.load %arg15[%get3A_96, %get3A_97] : memref<640x256xf32, #tpu.memory_space<vmem>>, vector<640x256xf32>
    %dot_general3A_99 = arith.constant dense<0.000000e+00> : vector<256x256xf32>
    %dot_general3A_100 = tpu.matmul %get3A_95, %get3A_98, %dot_general3A_99 {dimension_numbers = #tpu.dot_dimension_numbers<[1], [0], [0], [1], [0, 0, 1, 1], [], []>, transpose_lhs_hint = false} : vector<256x640xf32>, vector<640x256xf32>, vector<256x256xf32> -> vector<256x256xf32>
    %add3A_101 = arith.addf %add3A_92, %dot_general3A_100 : vector<256x256xf32>
    %get3A_102 = arith.constant 0 : index
    %get3A_103 = arith.constant 0 : index
    %get3A_104 = vector.load %arg16[%get3A_102, %get3A_103] : memref<1x256xf32, #tpu.memory_space<vmem>>, vector<1x256xf32>
    %add3A_105 = vector.broadcast %get3A_104 : vector<1x256xf32> to vector<256x256xf32>
    %add3A_106 = arith.addf %add3A_101, %add3A_105 : vector<256x256xf32>
    %ge3A = arith.constant 0.000000e+00 : f32
    %ge3A_107 = vector.broadcast %ge3A : f32 to vector<256x256xf32>
    %ge3A_108 = arith.cmpf oge, %add3A_106, %ge3A_107 : vector<256x256xf32>
    %get3A_109 = arith.constant 0 : index
    %get3A_110 = arith.constant 0 : index
    %get3A_111 = vector.load %arg17[%get3A_109, %get3A_110] : memref<1x256xf32, #tpu.memory_space<vmem>>, vector<1x256xf32>
    %mul3A_112 = vector.broadcast %get3A_111 : vector<1x256xf32> to vector<256x256xf32>
    %mul3A_113 = arith.mulf %mul3A_112, %add3A_106 : vector<256x256xf32>
    %select_n3A = arith.select %ge3A_108, %add3A_106, %mul3A_113 : vector<256x256xi1>, vector<256x256xf32>
    %get3A_114 = arith.constant 0 : index
    %get3A_115 = arith.constant 0 : index
    %get3A_116 = vector.load %arg18[%get3A_114, %get3A_115] : memref<256x128xf32, #tpu.memory_space<vmem>>, vector<256x128xf32>
    %dot_general3A_117 = arith.constant dense<0.000000e+00> : vector<256x128xf32>
    %dot_general3A_118 = tpu.matmul %select_n3A, %get3A_116, %dot_general3A_117 {dimension_numbers = #tpu.dot_dimension_numbers<[1], [0], [0], [1], [0, 0, 1, 1], [], []>, transpose_lhs_hint = false} : vector<256x256xf32>, vector<256x128xf32>, vector<256x128xf32> -> vector<256x128xf32>
    %get3A_119 = arith.constant 0 : index
    %get3A_120 = arith.constant 0 : index
    %get3A_121 = vector.load %arg19[%get3A_119, %get3A_120] : memref<1x128xf32, #tpu.memory_space<vmem>>, vector<1x128xf32>
    %add3A_122 = vector.broadcast %get3A_121 : vector<1x128xf32> to vector<256x128xf32>
    %add3A_123 = arith.addf %dot_general3A_118, %add3A_122 : vector<256x128xf32>
    %ge3A_124 = arith.constant 0.000000e+00 : f32
    %ge3A_125 = vector.broadcast %ge3A_124 : f32 to vector<256x128xf32>
    %ge3A_126 = arith.cmpf oge, %add3A_123, %ge3A_125 : vector<256x128xf32>
    %get3A_127 = arith.constant 0 : index
    %get3A_128 = arith.constant 0 : index
    %get3A_129 = vector.load %arg20[%get3A_127, %get3A_128] : memref<1x128xf32, #tpu.memory_space<vmem>>, vector<1x128xf32>
    %mul3A_130 = vector.broadcast %get3A_129 : vector<1x128xf32> to vector<256x128xf32>
    %mul3A_131 = arith.mulf %mul3A_130, %add3A_123 : vector<256x128xf32>
    %select_n3A_132 = arith.select %ge3A_126, %add3A_123, %mul3A_131 : vector<256x128xi1>, vector<256x128xf32>
    %get3A_133 = arith.constant 0 : index
    %get3A_134 = arith.constant 0 : index
    %get3A_135 = vector.load %arg21[%get3A_133, %get3A_134] : memref<128x1xf32, #tpu.memory_space<vmem>>, vector<128x1xf32>
    %dot_general3A_136 = arith.constant dense<0.000000e+00> : vector<256x1xf32>
    %dot_general3A_137 = tpu.matmul %select_n3A_132, %get3A_135, %dot_general3A_136 {dimension_numbers = #tpu.dot_dimension_numbers<[1], [0], [0], [1], [0, 0, 1, 1], [], []>, transpose_lhs_hint = false} : vector<256x128xf32>, vector<128x1xf32>, vector<256x1xf32> -> vector<256x1xf32>
    %get3A_138 = arith.constant 0 : index
    %get3A_139 = arith.constant 0 : index
    %get3A_140 = vector.load %arg22[%get3A_138, %get3A_139] : memref<1x1xf32, #tpu.memory_space<vmem>>, vector<1x1xf32>
    %add3A_141 = vector.broadcast %get3A_140 : vector<1x1xf32> to vector<256x1xf32>
    %add3A_142 = arith.addf %dot_general3A_137, %add3A_141 : vector<256x1xf32>
    %logistic3A = arith.negf %add3A_142 : vector<256x1xf32>
    %logistic3A_143 = math.exp %logistic3A : vector<256x1xf32>
    %logistic3A_144 = arith.constant 1.000000e+00 : f32
    %logistic3A_145 = vector.broadcast %logistic3A_144 : f32 to vector<256x1xf32>
    %logistic3A_146 = arith.addf %logistic3A_145, %logistic3A_143 : vector<256x1xf32>
    %logistic3A_147 = arith.divf %logistic3A_145, %logistic3A_146 : vector<256x1xf32>
    %swap3A = arith.constant 0 : index
    %swap3A_148 = arith.constant 0 : index
    %swap3A_149 = vector.load %arg23[%swap3A, %swap3A_148] : memref<256x1xf32, #tpu.memory_space<vmem>>, vector<256x1xf32>
    tpu.vector_store %arg23[%swap3A, %swap3A_148], %logistic3A_147 {strides = array<i32>} : memref<256x1xf32, #tpu.memory_space<vmem>>, vector<256x1xf32>,
    return
  }
  func.func @transform_0(%arg0: i32) -> (i32, i32, i32) {
    %c0_i32 = arith.constant 0 : i32
    %c0_i32_0 = arith.constant 0 : i32
    %c0_i32_1 = arith.constant 0 : i32
    return %c0_i32, %arg0, %c0_i32_0 : i32, i32, i32
  }
  func.func @transform_1(%arg0: i32) -> (i32, i32) {
    %c0_i32 = arith.constant 0 : i32
    %c0_i32_0 = arith.constant 0 : i32
    return %arg0, %c0_i32 : i32, i32
  }
  func.func @transform_2(%arg0: i32) -> (i32, i32) {
    %c0_i32 = arith.constant 0 : i32
    %c0_i32_0 = arith.constant 0 : i32
    return %arg0, %c0_i32 : i32, i32
  }
  func.func @transform_3(%arg0: i32) -> (i32, i32) {
    %c0_i32 = arith.constant 0 : i32
    %c0_i32_0 = arith.constant 0 : i32
    return %arg0, %c0_i32 : i32, i32
  }
  func.func @transform_4(%arg0: i32) -> (i32, i32) {
    %c0_i32 = arith.constant 0 : i32
    %c0_i32_0 = arith.constant 0 : i32
    %c0_i32_1 = arith.constant 0 : i32
    return %c0_i32, %c0_i32_0 : i32, i32
  }
  func.func @transform_5(%arg0: i32) -> (i32, i32) {
    %c0_i32 = arith.constant 0 : i32
    %c0_i32_0 = arith.constant 0 : i32
    %c0_i32_1 = arith.constant 0 : i32
    return %c0_i32, %c0_i32_0 : i32, i32
  }
  func.func @transform_6(%arg0: i32) -> (i32, i32) {
    %c0_i32 = arith.constant 0 : i32
    %c0_i32_0 = arith.constant 0 : i32
    %c0_i32_1 = arith.constant 0 : i32
    return %c0_i32, %c0_i32_0 : i32, i32
  }
  func.func @transform_7(%arg0: i32) -> (i32, i32) {
    %c0_i32 = arith.constant 0 : i32
    %c0_i32_0 = arith.constant 0 : i32
    %c0_i32_1 = arith.constant 0 : i32
    return %c0_i32, %c0_i32_0 : i32, i32
  }
  func.func @transform_8(%arg0: i32) -> (i32, i32) {
    %c0_i32 = arith.constant 0 : i32
    %c0_i32_0 = arith.constant 0 : i32
    %c0_i32_1 = arith.constant 0 : i32
    return %c0_i32, %c0_i32_0 : i32, i32
  }
  func.func @transform_9(%arg0: i32) -> (i32, i32) {
    %c0_i32 = arith.constant 0 : i32
    %c0_i32_0 = arith.constant 0 : i32
    %c0_i32_1 = arith.constant 0 : i32
    return %c0_i32, %c0_i32_0 : i32, i32
  }
  func.func @transform_10(%arg0: i32) -> (i32, i32) {
    %c0_i32 = arith.constant 0 : i32
    %c0_i32_0 = arith.constant 0 : i32
    %c0_i32_1 = arith.constant 0 : i32
    return %c0_i32, %c0_i32_0 : i32, i32
  }
  func.func @transform_11(%arg0: i32) -> (i32, i32) {
    %c0_i32 = arith.constant 0 : i32
    %c0_i32_0 = arith.constant 0 : i32
    %c0_i32_1 = arith.constant 0 : i32
    return %c0_i32, %c0_i32_0 : i32, i32
  }
  func.func @transform_12(%arg0: i32) -> (i32, i32) {
    %c0_i32 = arith.constant 0 : i32
    %c0_i32_0 = arith.constant 0 : i32
    %c0_i32_1 = arith.constant 0 : i32
    return %c0_i32, %c0_i32_0 : i32, i32
  }
  func.func @transform_13(%arg0: i32) -> (i32, i32) {
    %c0_i32 = arith.constant 0 : i32
    %c0_i32_0 = arith.constant 0 : i32
    %c0_i32_1 = arith.constant 0 : i32
    return %c0_i32, %c0_i32_0 : i32, i32
  }
  func.func @transform_14(%arg0: i32) -> (i32, i32) {
    %c0_i32 = arith.constant 0 : i32
    %c0_i32_0 = arith.constant 0 : i32
    %c0_i32_1 = arith.constant 0 : i32
    return %c0_i32, %c0_i32_0 : i32, i32
  }
  func.func @transform_15(%arg0: i32) -> (i32, i32) {
    %c0_i32 = arith.constant 0 : i32
    %c0_i32_0 = arith.constant 0 : i32
    %c0_i32_1 = arith.constant 0 : i32
    return %c0_i32, %c0_i32_0 : i32, i32
  }
  func.func @transform_16(%arg0: i32) -> (i32, i32) {
    %c0_i32 = arith.constant 0 : i32
    %c0_i32_0 = arith.constant 0 : i32
    %c0_i32_1 = arith.constant 0 : i32
    return %c0_i32, %c0_i32_0 : i32, i32
  }
  func.func @transform_17(%arg0: i32) -> (i32, i32) {
    %c0_i32 = arith.constant 0 : i32
    %c0_i32_0 = arith.constant 0 : i32
    %c0_i32_1 = arith.constant 0 : i32
    return %c0_i32, %c0_i32_0 : i32, i32
  }
  func.func @transform_18(%arg0: i32) -> (i32, i32) {
    %c0_i32 = arith.constant 0 : i32
    %c0_i32_0 = arith.constant 0 : i32
    %c0_i32_1 = arith.constant 0 : i32
    return %c0_i32, %c0_i32_0 : i32, i32
  }
  func.func @transform_19(%arg0: i32) -> (i32, i32) {
    %c0_i32 = arith.constant 0 : i32
    %c0_i32_0 = arith.constant 0 : i32
    %c0_i32_1 = arith.constant 0 : i32
    return %c0_i32, %c0_i32_0 : i32, i32
  }
  func.func @transform_20(%arg0: i32) -> (i32, i32) {
    %c0_i32 = arith.constant 0 : i32
    %c0_i32_0 = arith.constant 0 : i32
    %c0_i32_1 = arith.constant 0 : i32
    return %c0_i32, %c0_i32_0 : i32, i32
  }
  func.func @transform_21(%arg0: i32) -> (i32, i32) {
    %c0_i32 = arith.constant 0 : i32
    %c0_i32_0 = arith.constant 0 : i32
    %c0_i32_1 = arith.constant 0 : i32
    return %c0_i32, %c0_i32_0 : i32, i32
  }
  func.func @transform_22(%arg0: i32) -> (i32, i32) {
    %c0_i32 = arith.constant 0 : i32
    %c0_i32_0 = arith.constant 0 : i32
    return %arg0, %c0_i32 : i32, i32
  }
}

</mosaic_0001>

<sc_bundles>
// kernel: kernel.4.cloned.1.call-start
scs
__scs_entry_jumppad:
0x0: {  	(pc) =	sbr.rel $0x88, $3  }
0x1: {  	(tag) =	ssettag $0x0;
	lr =	simm.s32 $0x1  }
0x2: {  	[smem:$0x3F8C] =	sst lr;
	_ =	strace $0xD0000000  }
0x3: {  	_ = 	snop  }
0x4: {  	_ = 	snop  }
0x5: {  	_ = 	snop  }
0x6: {  	_ = 	snop  }
0x7: {  	_ = 	snop  }
__scs_overlays_trampoline_lowered:
0x8: {  	[smem:$0x3F9B] =	sst s0  }
0x9: {  	[smem:$0x3F9C] =	sst s1  }
0xa: {  	[smem:$0x3F9D] =	sst s2  }
0xb: {  	[smem:$0x3F9E] =	sst s3  }
0xc: {  	[smem:$0x3F9F] =	sst s4  }
0xd: {  	[smem:$0x3FA0] =	sst s5  }
0xe: {  	[smem:$0x3FA1] =	sst s6  }
0xf: {  	[smem:$0x3FA2] =	sst s7  }
0x10: {  	[smem:$0x3FA3] =	sst s8  }
0x11: {  	[smem:$0x3FA4] =	sst s9;
	s0 =	simm.s32 @!p0 $0x0  }
0x12: {  	s1 =	sld [smem:$0x3F8A];
	s0 =	simm.s32 @p0 $0x1  }
0x13: {  	[smem:$0x3FA5] =	sst s0;
	s0 =	simm.s32 @!p1 $0x0  }
0x14: {  	s2 =	sld [smem:$0x3F89];
	s0 =	simm.s32 @p1 $0x1  }
0x15: {  	[smem:$0x3FA6] =	sst s0;
	s0 =	simm.s32 @!p2 $0x0  }
0x16: {  	s3 =	sld [smem:$0x3FDB];
	s0 =	simm.s32 @p2 $0x1  }
0x17: {  	s4 =	simm.s32 $0x1BF5;
	[smem:$0x3FA8] =	sst s0  }
0x18: {  	s0 =	sld [smem:$0x3F8B];
	_ =	swait.ge [sflag:s4], $0x0  }
0x19: {  	s7 =	sld [smem:$0x3F8C]  }
0x1a: {  	s8 =	sadd.s32 $0xFFFFE003, lr  }
0x1b: {  	s9 =	sadd.s32 $0xFFFFFEF7, lr;
	s5 =	simm.s32 $0xFFFFFFFF;
	p2 =	slt.u32 s8, $0xFFFFF086  }
0x1c: {  	p1 =	slt.u32 s9, $0xF7A;
	s5 =	simm.s32 @!p2 $0x0  }
0x1d: {  	s5 =	simm.s32 @p1 $0x1;
	p0 =	seq.s32 s7, s2  }
0x1e: {  	s7 =	smul.u32 @!p0 $0xF7A, s2;
	p2 =	seq.s32 @!p0 s5, $0x0  }
0x1f: {  	s9 =	smul.u32 $0xF7A, s1;
	s8 =	simm.s32 @!p0 $0x1BF5;
	p2 =	por !p2, p0  }
0x20: {  	[sflag:s8] =	ssyncset.s32 @!p0 $0xFFFFF086;
	s6 =	sadd.s32 @!p0 s3, s7;
	s7 =	simm.s32 @!p0 $0x108  }
0x21: {  	s3 =	sadd.s32 s3, s9;
	s6 =	sadd.s32 @!p0 $0x88, s6;
	s7 =	simm.s32 @p2 $0x1082  }
0x22: {  	[simem:s7], [sflag:s8] =	dma.local @!p0 [hbm:s6], $0xF7A  }
0x23: {  	s9 =	sor.u32 $0xD0000000, s2;
	s6 =	simm.s32 $0x108;
	_ =	swait.ge @!p0 [sflag:s8], $0x0  }
0x24: {  	s3 =	sadd.s32 $0x88, s3;
	s6 =	simm.s32 @!p1 $0x1082;
	[sflag:s4] =	ssyncset.s32 $0xFFFFF086  }
0x25: {  	[simem:s6], [sflag:s4] =	dma.local [hbm:s3], $0xF7A  }
0x26: {  	[smem:$0x3F8C] =	sst s1;
	(tag) =	ssettag s2;
	_ =	strace s9  }
0x27: {  	s1 =	sld [smem:$0x3F9C]  }
0x28: {  	s2 =	sld [smem:$0x3F9D]  }
0x29: {  	s4 =	sld [smem:$0x3F9F]  }
0x2a: {  	p0 =	seq.s32 s5, $0x0;
	s5 =	sld [smem:$0x3FA0]  }
0x2b: {  	s6 =	sld [smem:$0x3FA1]  }
0x2c: {  	s7 =	sld [smem:$0x3FA2]  }
0x2d: {  	s3 =	simm.s32 $0x108;
	s8 =	sld [smem:$0x3FA3]  }
0x2e: {  	s3 =	simm.s32 @!p0 $0x1082;
	s9 =	sld [smem:$0x3FA4]  }
0x2f: {  	lr =	sadd.s32 s0, s3;
	s0 =	sld [smem:$0x3F9B]  }
0x30: {  	s3 =	sld [smem:$0x3F9E]  }
0x31: {  	[smem:$0x3FA7] =	sst s10  }
0x32: {  	s10 =	sld [smem:$0x3FA5];
	_ =	sdelay $0x3  }
0x33: {  	p0 =	seq.s32 s10, $0x1;
	s10 =	sld [smem:$0x3FA7];
	_ =	sdelay $0x3  }
0x34: {  	[smem:$0x3FA7] =	sst s10  }
0x35: {  	s10 =	sld [smem:$0x3FA6];
	_ =	sdelay $0x3  }
0x36: {  	p1 =	seq.s32 s10, $0x1;
	s10 =	sld [smem:$0x3FA7];
	_ =	sdelay $0x3  }
0x37: {  	[smem:$0x3FA7] =	sst s10  }
0x38: {  	s10 =	sld [smem:$0x3FA8]  }
0x39: {  	_ = 	snop;
	(pc) =	sbr.ind lr, $3  }
0x3a: {  	_ = 	snop  }
0x3b: {  	_ = 	snop  }
0x3c: {  	p2 =	seq.s32 s10, $0x1;
	s10 =	sld [smem:$0x3FA7]  }
0x3d: {  	_ =	shalt  }
0x3e: {  	_ =	shalt  }
0x3f: {  	_ =	shalt  }
0x40: {  	_ =	shalt  }
0x41: {  	_ =	shalt  }
0x42: {  	_ =	shalt  }
0x43: {  	_ =	shalt  }
0x44: {  	_ =	shalt  }
0x45: {  	_ =	shalt  }
0x46: {  	_ =	shalt  }
0x47: {  	_ =	shalt  }
0x48: {  	_ =	shalt  }
0x49: {  	_ =	shalt  }
0x4a: {  	_ =	shalt  }
0x4b: {  	_ =	shalt  }
0x4c: {  	_ =	shalt  }
0x4d: {  	_ =	shalt  }
0x4e: {  	_ =	shalt  }
0x4f: {  	_ =	shalt  }
0x50: {  	_ =	shalt  }
0x51: {  	_ =	shalt  }
0x52: {  	_ =	shalt  }
0x53: {  	_ =	shalt  }
0x54: {  	_ =	shalt  }
0x55: {  	_ =	shalt  }
0x56: {  	_ =	shalt  }
0x57: {  	_ =	shalt  }
0x58: {  	_ =	shalt  }
0x59: {  	_ =	shalt  }
0x5a: {  	_ =	shalt  }
0x5b: {  	_ =	shalt  }
0x5c: {  	_ =	shalt  }
0x5d: {  	_ =	shalt  }
0x5e: {  	_ =	shalt  }
0x5f: {  	_ =	shalt  }
0x60: {  	_ =	shalt  }
0x61: {  	_ =	shalt  }
0x62: {  	_ =	shalt  }
0x63: {  	_ =	shalt  }
0x64: {  	_ =	shalt  }
0x65: {  	_ =	shalt  }
0x66: {  	_ =	shalt  }
0x67: {  	_ =	shalt  }
0x68: {  	_ =	shalt  }
0x69: {  	_ =	shalt  }
0x6a: {  	_ =	shalt  }
0x6b: {  	_ =	shalt  }
0x6c: {  	_ =	shalt  }
0x6d: {  	_ =	shalt  }
0x6e: {  	_ =	shalt  }
0x6f: {  	_ =	shalt  }
0x70: {  	_ =	shalt  }
0x71: {  	_ =	shalt  }
0x72: {  	_ =	shalt  }
0x73: {  	_ =	shalt  }
0x74: {  	_ =	shalt  }
0x75: {  	_ =	shalt  }
0x76: {  	_ =	shalt  }
0x77: {  	_ =	shalt  }
0x78: {  	_ =	shalt  }
0x79: {  	_ =	shalt  }
0x7a: {  	_ =	shalt  }
0x7b: {  	_ =	shalt  }
0x7c: {  	_ =	shalt  }
0x7d: {  	_ =	shalt  }
0x7e: {  	_ =	shalt  }
0x7f: {  	_ =	shalt  }
0x80: {  	_ =	shalt  }
0x81: {  	_ =	shalt  }
0x82: {  	_ =	shalt  }
0x83: {  	_ =	shalt  }
0x84: {  	_ =	shalt  }
0x85: {  	_ =	shalt  }
0x86: {  	_ =	shalt  }
0x87: {  	_ =	shalt  }
.Lfunc_end0:
.L_simem_size_0:
called_computation_lowered:
.L_overlay_start_0:
0x88: {  	s2 =	sld [smem:$0x3FD9]  }
0x89: {  	s3 =	sld [smem:$0x3FFE];
	_ =	sdelay $0x1  }
0x8a: {  	s1 =	srdreg.scid  }
0x8b: {  	s0 =	sand.u32 $0x1, s1  }
0x8c: {  	s17 =	sshll.u32 s0, $0xA;
	s2 =	sadd.s32 s3, s2  }
0x8d: {  	s2 =	sadd.s32 s2, s17  }
0x8e: {  	[smem:$0x3FB3] =	sst s2  }
0x8f: {  	_ = 	snop  }
0x90: {  	s2 =	sld [smem:$0x3FC6];
	(tm) =	ssettm $0x1  }
0x91: {  	s18 =	sld [smem:$0x3FFB];
	_ =	sdelay $0x3  }
0x92: {  	_ =	strace s18  }
0x93: {  	s3 =	sld [smem:$0x3FFC];
	_ =	sdelay $0x3  }
0x94: {  	_ =	strace s3  }
0x95: {  	s3 =	sld [smem:$0x3FFD];
	_ =	sdelay $0x3  }
0x96: {  	_ =	strace s3  }
0x97: {  	_ =	strace $0x8FFFFFFF  }
0x98: {  	s19 =	sld [smem:$0x3FDB];
	_ =	sdelay $0x1  }
0x99: {  	s4 =	simm.s32 $_scs_section_size  }
0x9a: {  	s5 =	simm.s32 $_size__tile_overlayer_lowered;
	s6 =	simm.s32 $_tile_overlayer_lowered  }
0x9b: {  	s22 =	simm.s32 $0x1BFF;
	s21 =	sshll.u32 s6, $0x1;
	s3 =	sadd.s32 s4, s19  }
0x9c: {  	s7 =	simm.s32 $0x0;
	s20 =	sshll.u32 s5, $0x1;
	s5 =	sadd.s32 s21, s3  }
0x9d: {  	[timem:s7], [sflag:s22] =	dma.local [hbm:s5], s20  }
0x9e: {  	_ =	swait.ge [sflag:s22], s20  }
0x9f: {  	s4 =	ssub.s32 $0x0, s20;
	[sflag:s22] =	ssyncset.done $0x0  }
0xa0: {  	[sflag:s22] =	ssyncadd.s32 s4;
	_ =	sdelay $0x1  }
0xa1: {  	s23 =	simm.s32 $0x1B8B  }
0xa2: {  	_ =	swait.ge [sflag:s23], $0x1  }
0xa3: {  	[sflag:s23] =	ssyncset.done $0x0  }
0xa4: {  	s25 =	simm.s32 $0x1B8E;
	s24 =	sld [smem:$0x3FFE];
	[sflag:s23] =	ssyncadd.s32 $0xFFFFFFFF  }
0xa5: {  	s26 =	simm.s32 $execute0_lowered;
	[smem:$0x3FD2] =	sst s25  }
0xa6: {  	s5 =	sshll.u32 s26, $0x1;
	_ =	strace $0x80000046;
	[dreg:$0x1] =	wrdreg $0xFFFFFFFF  }
0xa7: {  	s28 =	simm.s32 $_size_execute0_lowered;
	s3 =	sadd.s32 s3, s5;
	[dreg:$0x0] =	wrdreg $0x0  }
0xa8: {  	s5 =	sshll.u32 s28, $0x1;
	[dreg:$0x2] =	wrdreg s3  }
0xa9: {  	[dreg:$0x3] =	wrdreg s5  }
0xaa: {  	[dreg:$0x4] =	wrdreg $0xC0  }
0xab: {  	_ =	task [dreg:s7], $0x5FFFF  }
0xac: {  	[dreg:$0x1] =	wrdreg $0xFFFFFFFF  }
0xad: {  	[dreg:$0x0] =	wrdreg $0x60  }
0xae: {  	[dreg:$0x2] =	wrdreg s24  }
0xaf: {  	[dreg:$0x3] =	wrdreg s2  }
0xb0: {  	[dreg:$0x4] =	wrdreg $0x9  }
0xb1: {  	_ =	task.clear_ibuf [dreg:s7], $0x5FFFF;
	_ =	strace $0x90000046  }
0xb2: {  	s29 =	simm.s32 $0x9;
	_ =	strace $0x80000048  }
0xb3: {  	_ =	swait.ge [sflag:s29], $0x1  }
0xb4: {  	[sflag:s29] =	ssyncadd.s32 $0xFFFFFFFF  }
0xb5: {  	_ =	strace $0x90000048  }
0xb6: {  	_ =	sfence  }
0xb7: {  	s30 =	sld [smem:$0x0];
	_ =	sdelay $0x2  }
0xb8: {  	s31 =	sshll.u32 s1, $0xD;
	s1 =	sshrl.u32 s1, $0x2  }
0xb9: {  	s3 =	sand.u32 $0x4000, s31;
	s1 =	sadd.s32 s1, s30  }
0xba: {  	s0 =	sor.u32 s3, s0;
	s1 =	sshll.u32 s1, $0x11  }
0xbb: {  	s0 =	sor.u32 s1, s0  }
0xbc: {  	s0 =	sadd.s32 $0x8F2B, s0  }
0xbd: {  	[sflag:s0] =	ssyncadd.remote.s32 $0x1  }
0xbe: {  	_ =	sfence.sel $0xFFFF  }
0xbf: {  	[dreg:$0x0] =	wrdreg $0xFFFFFFFF;
	(pc) =	sbr.abs _section_cstart, $3  }
0xc0: {  	[dreg:$0x1] =	wrdreg $0xFFFFFFFF  }
0xc1: {  	_ =	task.clear_ibuf [dreg:s7], $0x2FFFF;
	_ =	strace $0x9FFFFFFF  }
0xc2: {  	(tm) =	ssettm $0x7FFFFFFF  }
0xc3: {  	_ =	shalt  }
tec
execute0_lowered:
.L_overlay_start_1:
0x0: {  	(tag) =	ssettag $0x1  }
0x1: {  	s0 =	rddreg [dreg:$0x0]  }
0x2: {  	s1 =	srdreg.scid;
	s9 =	stileid.u32  }
0x3: {  	s6 =	rddreg [dreg:$0x1];
	s2 =	simm.s32 $0x0;
	s13 =	simm.s32 $0x80  }
0x4: {  	s14 =	simm.s32 $0x1900;
	s15 =	simm.s32 $0x3900;
	s16 =	simm.s32 $0x5900  }
0x5: {  	s17 =	simm.s32 $0x7900;
	s18 =	simm.s32 $0x9900;
	s19 =	simm.s32 $0xB900  }
0x6: {  	s20 =	simm.s32 $0xD900;
	s21 =	simm.s32 $0xF900;
	s22 =	simm.s32 $0x11900  }
0x7: {  	s1 =	sand.u32 $0x1, s1;
	s3 =	sshll.u32 s9, $0x1;
	s9 =	smul.u32 $0x19000, s9  }
0x8: {  	s5 =	sor.u32 s1, s3;
	s12 =	ssub.s32 $0x2, s1;
	s1 =	smul.u32 $0xC800, s1  }
0x9: {  	s23 =	simm.s32 $0x13900;
	[smem:$0x7FF] =	sst s2;
	s4 =	smul.u32 $0x320, s5  }
0xa: {  	s24 =	simm.s32 $0x1;
	_ =	strace $0x80000047;
	s7 =	smul.u32 $0xA0, s5  }
0xb: {  	s25 =	simm.s32 $0x0;
	s3 =	sadd.s32 $0x18BA00, s0;
	s26 =	smul.u32 $0x2800, s5  }
0xc: {  	s11 =	sadd.s32 s9, s0;
	s28 =	sshll.u32 s5, $0xA;
	s29 =	sshrl.u32 s12, $0x1  }
0xd: {  	s30 =	sshll.u32 s5, $0x4;
	s9 =	sadd.s32 s28, s0;
	s12 =	ssub.s32 s12, s29  }
0xe: {  	s6 =	sadd.s32 s6, s30;
	s31 =	sadd.s32 s1, s11;
	s1 =	simm.s32 $0x400  }
0xf: {  	s8 =	sadd.s32 s4, s0;
	s4 =	sadd.s32 $0xB400, s0;
	s10 =	sadd.s32 s7, s0  }
0x10: {  	s0 =	sadd.s32 s26, s0;
	s7 =	sadd.s32 $0xCFE00, s9;
	s11 =	sadd.s32 $0x24F000, s31  }
0x11: {  	s5 =	sadd.s32 $0x5000, s8;
	s8 =	sadd.s32 $0xCEA00, s10;
	s9 =	sadd.s32 $0xD7E00, s0  }
0x12: {  	s10 =	smax.u32 s12, $0x1;
	s12 =	simm.s32 $0x2;
	s0 =	simm.s32 $0x480  }
.LBB2_1:
0x13: {  	[tilespmem:s2], [sflag:$0x2] =	stream.linear.gather [hbm4b:s5+s2], $0x1900, $0x38;
	[tilespmem:$0x15900] =	vst v63  }
0x14: {  	_ =	swait.ge [sflag:s12], $0x1900  }
0x15: {  	[sflag:s12] =	ssyncset.done $0x0  }
0x16: {  	s26 =	simm.s32 $0x0;
	[sflag:s12] =	ssyncadd.s32 $0xFFFFE700  }
0x17: {  	[tilespmem:s14], [sflag:$0x1] =	stream.indirect.gather [hbm4b:s3+s13], $0x40, s26, s13, $0xb8;
	[tilespmem:$0x15900] =	vst v63  }
0x18: {  	s31 =	simm.s32 $0x80  }
0x19: {  	[tilespmem:s15], [sflag:$0x1] =	stream.indirect.gather [hbm4b:s3+s13], $0x40, s31, s13, $0xb8;
	[tilespmem:$0x15900] =	vst v63  }
0x1a: {  	s30 =	simm.s32 $0x100  }
0x1b: {  	[tilespmem:s16], [sflag:$0x1] =	stream.indirect.gather [hbm4b:s3+s13], $0x40, s30, s13, $0xb8;
	[tilespmem:$0x15900] =	vst v63  }
0x1c: {  	s31 =	simm.s32 $0x180  }
0x1d: {  	[tilespmem:s17], [sflag:$0x1] =	stream.indirect.gather [hbm4b:s3+s13], $0x40, s31, s13, $0xb8;
	[tilespmem:$0x15900] =	vst v63  }
0x1e: {  	s30 =	simm.s32 $0x200  }
0x1f: {  	[tilespmem:s18], [sflag:$0x1] =	stream.indirect.gather [hbm4b:s3+s13], $0x40, s30, s13, $0xb8;
	[tilespmem:$0x15900] =	vst v63  }
0x20: {  	s31 =	simm.s32 $0x280  }
0x21: {  	[tilespmem:s19], [sflag:$0x1] =	stream.indirect.gather [hbm4b:s3+s13], $0x40, s31, s13, $0xb8;
	[tilespmem:$0x15900] =	vst v63  }
0x22: {  	s30 =	simm.s32 $0x300  }
0x23: {  	[tilespmem:s20], [sflag:$0x1] =	stream.indirect.gather [hbm4b:s3+s13], $0x40, s30, s13, $0xb8;
	[tilespmem:$0x15900] =	vst v63  }
0x24: {  	s31 =	simm.s32 $0x380  }
0x25: {  	[tilespmem:s21], [sflag:$0x1] =	stream.indirect.gather [hbm4b:s3+s13], $0x40, s31, s13, $0xb8;
	[tilespmem:$0x15900] =	vst v63  }
0x26: {  	s30 =	simm.s32 $0x400  }
0x27: {  	[tilespmem:s22], [sflag:$0x1] =	stream.indirect.gather [hbm4b:s3+s13], $0x40, s30, s13, $0xb8;
	[tilespmem:$0x15900] =	vst v63  }
0x28: {  	s31 =	simm.s32 $0x480  }
0x29: {  	[tilespmem:s23], [sflag:$0x1] =	stream.indirect.gather [hbm4b:s3+s13], $0x40, s31, s13, $0xb8;
	[tilespmem:$0x15900] =	vst v63  }
0x2a: {  	_ =	swait.ge [sflag:s24], $0x2000  }
0x2b: {  	[sflag:s24] =	ssyncset.done $0x0  }
0x2c: {  	[sflag:s24] =	ssyncadd.s32 $0xFFFFE000  }
0x2d: {  	_ =	swait.ge [sflag:s24], $0x2000  }
0x2e: {  	[sflag:s24] =	ssyncset.done $0x0  }
0x2f: {  	[sflag:s24] =	ssyncadd.s32 $0xFFFFE000  }
0x30: {  	_ =	swait.ge [sflag:s24], $0x2000  }
0x31: {  	[sflag:s24] =	ssyncset.done $0x0  }
0x32: {  	[sflag:s24] =	ssyncadd.s32 $0xFFFFE000  }
0x33: {  	_ =	swait.ge [sflag:s24], $0x2000  }
0x34: {  	[sflag:s24] =	ssyncset.done $0x0  }
0x35: {  	[sflag:s24] =	ssyncadd.s32 $0xFFFFE000  }
0x36: {  	_ =	swait.ge [sflag:s24], $0x2000  }
0x37: {  	[sflag:s24] =	ssyncset.done $0x0  }
0x38: {  	[sflag:s24] =	ssyncadd.s32 $0xFFFFE000  }
0x39: {  	_ =	swait.ge [sflag:s24], $0x2000  }
0x3a: {  	[sflag:s24] =	ssyncset.done $0x0  }
0x3b: {  	[sflag:s24] =	ssyncadd.s32 $0xFFFFE000  }
0x3c: {  	_ =	swait.ge [sflag:s24], $0x2000  }
0x3d: {  	[sflag:s24] =	ssyncset.done $0x0  }
0x3e: {  	[sflag:s24] =	ssyncadd.s32 $0xFFFFE000  }
0x3f: {  	_ =	swait.ge [sflag:s24], $0x2000  }
0x40: {  	[sflag:s24] =	ssyncset.done $0x0  }
0x41: {  	[sflag:s24] =	ssyncadd.s32 $0xFFFFE000  }
0x42: {  	_ =	swait.ge [sflag:s24], $0x2000  }
0x43: {  	[sflag:s24] =	ssyncset.done $0x0  }
0x44: {  	[sflag:s24] =	ssyncadd.s32 $0xFFFFE000  }
0x45: {  	_ =	swait.ge [sflag:s24], $0x2000  }
0x46: {  	[sflag:s24] =	ssyncset.done $0x0  }
0x47: {  	[sflag:s24] =	ssyncadd.s32 $0xFFFFE000  }
0x48: {  	[hbm4b:s11+s2] =	stream.linear.scatter [tilespmem:s14], [sflag:$0x2], $0x14000, $0x38;
	[tilespmem:$0x15900] =	vst v63  }
0x49: {  	s28 =	simm.s32 $0x1400;
	_ =	swait.ge [sflag:s12], $0x14000  }
0x4a: {  	s29 =	simm.s32 $0x2800;
	s26 =	sadd.s32 $0x2800, s11;
	[sflag:s12] =	ssyncset.done $0x0  }
.LBB2_2:
0x4b: {  	s31 =	sshra.s32 s28, $0x2  }
0x4c: {  	[sflag:s12] =	ssyncadd.s32 $0xFFFEC000;
	s28 =	smov.u32 s29;
	s30 =	sadd.s32 $0x1400, s29  }
0x4d: {  	[tilespmem:s14], [sflag:$0x1] =	stream.indirect.gather [hbm4b:s3+s13], $0x40, s31, s13, $0xb8;
	[tilespmem:$0x15900] =	vst v63  }
0x4e: {  	p0 =	sne.s32 s29, $0x5000;
	s29 =	sadd.s32 $0x80, s31  }
0x4f: {  	[tilespmem:s15], [sflag:$0x1] =	stream.indirect.gather [hbm4b:s3+s13], $0x40, s29, s13, $0xb8;
	[tilespmem:$0x15900] =	vst v63  }
0x50: {  	s29 =	sadd.s32 $0x100, s31  }
0x51: {  	[tilespmem:s16], [sflag:$0x1] =	stream.indirect.gather [hbm4b:s3+s13], $0x40, s29, s13, $0xb8;
	[tilespmem:$0x15900] =	vst v63  }
0x52: {  	s29 =	sadd.s32 $0x180, s31  }
0x53: {  	[tilespmem:s17], [sflag:$0x1] =	stream.indirect.gather [hbm4b:s3+s13], $0x40, s29, s13, $0xb8;
	[tilespmem:$0x15900] =	vst v63  }
0x54: {  	s29 =	sadd.s32 $0x200, s31  }
0x55: {  	[tilespmem:s18], [sflag:$0x1] =	stream.indirect.gather [hbm4b:s3+s13], $0x40, s29, s13, $0xb8;
	[tilespmem:$0x15900] =	vst v63  }
0x56: {  	s29 =	sadd.s32 $0x280, s31  }
0x57: {  	[tilespmem:s19], [sflag:$0x1] =	stream.indirect.gather [hbm4b:s3+s13], $0x40, s29, s13, $0xb8;
	[tilespmem:$0x15900] =	vst v63  }
0x58: {  	s29 =	sadd.s32 $0x300, s31  }
0x59: {  	[tilespmem:s20], [sflag:$0x1] =	stream.indirect.gather [hbm4b:s3+s13], $0x40, s29, s13, $0xb8;
	[tilespmem:$0x15900] =	vst v63  }
0x5a: {  	s29 =	sadd.s32 $0x380, s31  }
0x5b: {  	[tilespmem:s21], [sflag:$0x1] =	stream.indirect.gather [hbm4b:s3+s13], $0x40, s29, s13, $0xb8;
	[tilespmem:$0x15900] =	vst v63  }
0x5c: {  	s29 =	sadd.s32 $0x400, s31  }
0x5d: {  	[tilespmem:s22], [sflag:$0x1] =	stream.indirect.gather [hbm4b:s3+s13], $0x40, s29, s13, $0xb8;
	[tilespmem:$0x15900] =	vst v63  }
0x5e: {  	s29 =	sadd.s32 $0x480, s31  }
0x5f: {  	[tilespmem:s23], [sflag:$0x1] =	stream.indirect.gather [hbm4b:s3+s13], $0x40, s29, s13, $0xb8;
	[tilespmem:$0x15900] =	vst v63  }
0x60: {  	_ =	swait.ge [sflag:s24], $0x2000  }
0x61: {  	[sflag:s24] =	ssyncset.done $0x0  }
0x62: {  	[sflag:s24] =	ssyncadd.s32 $0xFFFFE000  }
0x63: {  	_ =	swait.ge [sflag:s24], $0x2000  }
0x64: {  	[sflag:s24] =	ssyncset.done $0x0  }
0x65: {  	[sflag:s24] =	ssyncadd.s32 $0xFFFFE000  }
0x66: {  	_ =	swait.ge [sflag:s24], $0x2000  }
0x67: {  	[sflag:s24] =	ssyncset.done $0x0  }
0x68: {  	[sflag:s24] =	ssyncadd.s32 $0xFFFFE000  }
0x69: {  	_ =	swait.ge [sflag:s24], $0x2000  }
0x6a: {  	[sflag:s24] =	ssyncset.done $0x0  }
0x6b: {  	[sflag:s24] =	ssyncadd.s32 $0xFFFFE000  }
0x6c: {  	_ =	swait.ge [sflag:s24], $0x2000  }
0x6d: {  	[sflag:s24] =	ssyncset.done $0x0  }
0x6e: {  	[sflag:s24] =	ssyncadd.s32 $0xFFFFE000  }
0x6f: {  	_ =	swait.ge [sflag:s24], $0x2000  }
0x70: {  	[sflag:s24] =	ssyncset.done $0x0  }
0x71: {  	[sflag:s24] =	ssyncadd.s32 $0xFFFFE000  }
0x72: {  	_ =	swait.ge [sflag:s24], $0x2000  }
0x73: {  	[sflag:s24] =	ssyncset.done $0x0  }
0x74: {  	[sflag:s24] =	ssyncadd.s32 $0xFFFFE000  }
0x75: {  	_ =	swait.ge [sflag:s24], $0x2000  }
0x76: {  	[sflag:s24] =	ssyncset.done $0x0  }
0x77: {  	[sflag:s24] =	ssyncadd.s32 $0xFFFFE000  }
0x78: {  	_ =	swait.ge [sflag:s24], $0x2000  }
0x79: {  	[sflag:s24] =	ssyncset.done $0x0  }
0x7a: {  	[sflag:s24] =	ssyncadd.s32 $0xFFFFE000  }
0x7b: {  	_ =	swait.ge [sflag:s24], $0x2000  }
.Ltmp0:
0x7c: {  	[sflag:s24] =	ssyncset.done $0x0;
	(pc) =	sbr.rel @p0 .LBB2_2-.Ltmp0, $4  }
0x7d: {  	[sflag:s24] =	ssyncadd.s32 $0xFFFFE000  }
0x7e: {  	[hbm4b:s26+s2] =	stream.linear.scatter [tilespmem:s14], [sflag:$0x2], $0x14000, $0x38;
	[tilespmem:$0x15900] =	vst v63  }
0x7f: {  	_ =	swait.ge [sflag:s12], $0x14000  }
0x80: {  	s29 =	smov.u32 s30;
	s26 =	sadd.s32 $0x2800, s26;
	[sflag:s12] =	ssyncset.done $0x0  }
0x81: {  	s28 =	sshra.s32 s28, $0x2;
	[sflag:s12] =	ssyncadd.s32 $0xFFFEC000  }
0x82: {  	[tilespmem:s14], [sflag:$0x1] =	stream.indirect.gather [hbm4b:s3+s13], $0x40, s28, s13, $0xb8;
	[tilespmem:$0x15900] =	vst v63  }
0x83: {  	s29 =	sadd.s32 $0x80, s28  }
0x84: {  	[tilespmem:s15], [sflag:$0x1] =	stream.indirect.gather [hbm4b:s3+s13], $0x40, s29, s13, $0xb8;
	[tilespmem:$0x15900] =	vst v63  }
0x85: {  	s31 =	sadd.s32 $0x100, s28  }
0x86: {  	[tilespmem:s16], [sflag:$0x1] =	stream.indirect.gather [hbm4b:s3+s13], $0x40, s31, s13, $0xb8;
	[tilespmem:$0x15900] =	vst v63  }
0x87: {  	s30 =	sadd.s32 $0x180, s28  }
0x88: {  	[tilespmem:s17], [sflag:$0x1] =	stream.indirect.gather [hbm4b:s3+s13], $0x40, s30, s13, $0xb8;
	[tilespmem:$0x15900] =	vst v63  }
0x89: {  	s31 =	sadd.s32 $0x200, s28  }
0x8a: {  	[tilespmem:s18], [sflag:$0x1] =	stream.indirect.gather [hbm4b:s3+s13], $0x40, s31, s13, $0xb8;
	[tilespmem:$0x15900] =	vst v63  }
0x8b: {  	s30 =	sadd.s32 $0x280, s28  }
0x8c: {  	[tilespmem:s19], [sflag:$0x1] =	stream.indirect.gather [hbm4b:s3+s13], $0x40, s30, s13, $0xb8;
	[tilespmem:$0x15900] =	vst v63  }
0x8d: {  	s31 =	sadd.s32 $0x300, s28  }
0x8e: {  	[tilespmem:s20], [sflag:$0x1] =	stream.indirect.gather [hbm4b:s3+s13], $0x40, s31, s13, $0xb8;
	[tilespmem:$0x15900] =	vst v63  }
0x8f: {  	s30 =	sadd.s32 $0x380, s28  }
0x90: {  	[tilespmem:s21], [sflag:$0x1] =	stream.indirect.gather [hbm4b:s3+s13], $0x40, s30, s13, $0xb8;
	[tilespmem:$0x15900] =	vst v63  }
0x91: {  	s31 =	sadd.s32 $0x400, s28  }
0x92: {  	[tilespmem:s22], [sflag:$0x1] =	stream.indirect.gather [hbm4b:s3+s13], $0x40, s31, s13, $0xb8;
	[tilespmem:$0x15900] =	vst v63  }
0x93: {  	s28 =	sadd.s32 $0x480, s28  }
0x94: {  	[tilespmem:s23], [sflag:$0x1] =	stream.indirect.gather [hbm4b:s3+s13], $0x40, s28, s13, $0xb8;
	[tilespmem:$0x15900] =	vst v63  }
0x95: {  	_ =	swait.ge [sflag:s24], $0x2000  }
0x96: {  	[sflag:s24] =	ssyncset.done $0x0  }
0x97: {  	[sflag:s24] =	ssyncadd.s32 $0xFFFFE000  }
0x98: {  	_ =	swait.ge [sflag:s24], $0x2000  }
0x99: {  	[sflag:s24] =	ssyncset.done $0x0  }
0x9a: {  	[sflag:s24] =	ssyncadd.s32 $0xFFFFE000  }
0x9b: {  	_ =	swait.ge [sflag:s24], $0x2000  }
0x9c: {  	[sflag:s24] =	ssyncset.done $0x0  }
0x9d: {  	[sflag:s24] =	ssyncadd.s32 $0xFFFFE000  }
0x9e: {  	_ =	swait.ge [sflag:s24], $0x2000  }
0x9f: {  	[sflag:s24] =	ssyncset.done $0x0  }
0xa0: {  	[sflag:s24] =	ssyncadd.s32 $0xFFFFE000  }
0xa1: {  	_ =	swait.ge [sflag:s24], $0x2000  }
0xa2: {  	[sflag:s24] =	ssyncset.done $0x0  }
0xa3: {  	[sflag:s24] =	ssyncadd.s32 $0xFFFFE000  }
0xa4: {  	_ =	swait.ge [sflag:s24], $0x2000  }
0xa5: {  	[sflag:s24] =	ssyncset.done $0x0  }
0xa6: {  	[sflag:s24] =	ssyncadd.s32 $0xFFFFE000  }
0xa7: {  	_ =	swait.ge [sflag:s24], $0x2000  }
0xa8: {  	[sflag:s24] =	ssyncset.done $0x0  }
0xa9: {  	[sflag:s24] =	ssyncadd.s32 $0xFFFFE000  }
0xaa: {  	_ =	swait.ge [sflag:s24], $0x2000  }
0xab: {  	[sflag:s24] =	ssyncset.done $0x0  }
0xac: {  	[sflag:s24] =	ssyncadd.s32 $0xFFFFE000  }
0xad: {  	_ =	swait.ge [sflag:s24], $0x2000  }
0xae: {  	[sflag:s24] =	ssyncset.done $0x0  }
0xaf: {  	[sflag:s24] =	ssyncadd.s32 $0xFFFFE000  }
0xb0: {  	_ =	swait.ge [sflag:s24], $0x2000  }
0xb1: {  	[sflag:s24] =	ssyncset.done $0x0  }
0xb2: {  	[sflag:s24] =	ssyncadd.s32 $0xFFFFE000  }
0xb3: {  	[hbm4b:s26+s2] =	stream.linear.scatter [tilespmem:s14], [sflag:$0x2], $0x14000, $0x38;
	[tilespmem:$0x15900] =	vst v63  }
0xb4: {  	_ =	swait.ge [sflag:s12], $0x14000  }
0xb5: {  	[sflag:s12] =	ssyncset.done $0x0  }
0xb6: {  	[sflag:s12] =	ssyncadd.s32 $0xFFFEC000  }
0xb7: {  	[tilespmem:s2], [sflag:$0x2] =	stream.linear.gather [hbm4b:s6+s2], $0x80, $0x38;
	[tilespmem:$0x15900] =	vst v63  }
0xb8: {  	_ =	swait.ge [sflag:s12], $0x80  }
0xb9: {  	[sflag:s12] =	ssyncset.done $0x0  }
0xba: {  	[sflag:s12] =	ssyncadd.s32 $0xFFFFFF80  }
0xbb: {  	[tilespmem:s14], [sflag:$0x1] =	stream.indirect.gather [hbm4b:s3+s13], $0x40, s2, s13, $0xb8;
	[tilespmem:$0x15900] =	vst v63  }
0xbc: {  	_ =	swait.ge [sflag:s24], $0x2000  }
0xbd: {  	[sflag:s24] =	ssyncset.done $0x0  }
0xbe: {  	[sflag:s24] =	ssyncadd.s32 $0xFFFFE000  }
0xbf: {  	[hbm4b:s7+s2] =	stream.linear.scatter [tilespmem:s14], [sflag:$0x2], $0x2000, $0x38;
	[tilespmem:$0x15900] =	vst v63  }
0xc0: {  	_ =	swait.ge [sflag:s12], $0x2000  }
0xc1: {  	[sflag:s12] =	ssyncset.done $0x0  }
0xc2: {  	[sflag:s12] =	ssyncadd.s32 $0xFFFFE000  }
0xc3: {  	[tilespmem:s2], [sflag:$0x2] =	stream.linear.gather [hbm4b:s8+s2], $0x500, $0x38;
	[tilespmem:$0x15900] =	vst v63  }
0xc4: {  	_ =	swait.ge [sflag:s12], $0x500  }
0xc5: {  	[sflag:s12] =	ssyncset.done $0x0  }
0xc6: {  	[sflag:s12] =	ssyncadd.s32 $0xFFFFFB00  }
0xc7: {  	[tilespmem:s14], [sflag:$0x1] =	stream.indirect.gather [hbm4b:s4+s13], $0x40, s2, s13, $0xb8;
	[tilespmem:$0x15900] =	vst v63  }
0xc8: {  	_ = 	snop  }
0xc9: {  	[tilespmem:s15], [sflag:$0x1] =	stream.indirect.gather [hbm4b:s4+s13], $0x40, s13, s13, $0xb8;
	[tilespmem:$0x15900] =	vst v63  }
0xca: {  	s30 =	simm.s32 $0x100  }
0xcb: {  	[tilespmem:s16], [sflag:$0x1] =	stream.indirect.gather [hbm4b:s4+s13], $0x40, s30, s13, $0xb8;
	[tilespmem:$0x15900] =	vst v63  }
0xcc: {  	s31 =	simm.s32 $0x180  }
0xcd: {  	[tilespmem:s17], [sflag:$0x1] =	stream.indirect.gather [hbm4b:s4+s13], $0x40, s31, s13, $0xb8;
	[tilespmem:$0x15900] =	vst v63  }
0xce: {  	s28 =	simm.s32 $0x200  }
0xcf: {  	[tilespmem:s18], [sflag:$0x1] =	stream.indirect.gather [hbm4b:s4+s13], $0x40, s28, s13, $0xb8;
	[tilespmem:$0x15900] =	vst v63  }
0xd0: {  	s29 =	simm.s32 $0x280  }
0xd1: {  	[tilespmem:s19], [sflag:$0x1] =	stream.indirect.gather [hbm4b:s4+s13], $0x40, s29, s13, $0xb8;
	[tilespmem:$0x15900] =	vst v63  }
0xd2: {  	s30 =	simm.s32 $0x300  }
0xd3: {  	[tilespmem:s20], [sflag:$0x1] =	stream.indirect.gather [hbm4b:s4+s13], $0x40, s30, s13, $0xb8;
	[tilespmem:$0x15900] =	vst v63  }
0xd4: {  	s31 =	simm.s32 $0x380  }
0xd5: {  	[tilespmem:s21], [sflag:$0x1] =	stream.indirect.gather [hbm4b:s4+s13], $0x40, s31, s13, $0xb8;
	[tilespmem:$0x15900] =	vst v63  }
0xd6: {  	_ = 	snop  }
0xd7: {  	[tilespmem:s22], [sflag:$0x1] =	stream.indirect.gather [hbm4b:s4+s13], $0x40, s1, s13, $0xb8;
	[tilespmem:$0x15900] =	vst v63  }
0xd8: {  	_ = 	snop  }
0xd9: {  	[tilespmem:s23], [sflag:$0x1] =	stream.indirect.gather [hbm4b:s4+s13], $0x40, s0, s13, $0xb8;
	[tilespmem:$0x15900] =	vst v63  }
0xda: {  	_ =	swait.ge [sflag:s24], $0x2000  }
0xdb: {  	[sflag:s24] =	ssyncset.done $0x0  }
0xdc: {  	[sflag:s24] =	ssyncadd.s32 $0xFFFFE000  }
0xdd: {  	_ =	swait.ge [sflag:s24], $0x2000  }
0xde: {  	[sflag:s24] =	ssyncset.done $0x0  }
0xdf: {  	[sflag:s24] =	ssyncadd.s32 $0xFFFFE000  }
0xe0: {  	_ =	swait.ge [sflag:s24], $0x2000  }
0xe1: {  	[sflag:s24] =	ssyncset.done $0x0  }
0xe2: {  	[sflag:s24] =	ssyncadd.s32 $0xFFFFE000  }
0xe3: {  	_ =	swait.ge [sflag:s24], $0x2000  }
0xe4: {  	[sflag:s24] =	ssyncset.done $0x0  }
0xe5: {  	[sflag:s24] =	ssyncadd.s32 $0xFFFFE000  }
0xe6: {  	_ =	swait.ge [sflag:s24], $0x2000  }
0xe7: {  	[sflag:s24] =	ssyncset.done $0x0  }
0xe8: {  	[sflag:s24] =	ssyncadd.s32 $0xFFFFE000  }
0xe9: {  	_ =	swait.ge [sflag:s24], $0x2000  }
0xea: {  	[sflag:s24] =	ssyncset.done $0x0  }
0xeb: {  	[sflag:s24] =	ssyncadd.s32 $0xFFFFE000  }
0xec: {  	_ =	swait.ge [sflag:s24], $0x2000  }
0xed: {  	[sflag:s24] =	ssyncset.done $0x0  }
0xee: {  	[sflag:s24] =	ssyncadd.s32 $0xFFFFE000  }
0xef: {  	_ =	swait.ge [sflag:s24], $0x2000  }
0xf0: {  	[sflag:s24] =	ssyncset.done $0x0  }
0xf1: {  	[sflag:s24] =	ssyncadd.s32 $0xFFFFE000  }
0xf2: {  	_ =	swait.ge [sflag:s24], $0x2000  }
0xf3: {  	[sflag:s24] =	ssyncset.done $0x0  }
0xf4: {  	[sflag:s24] =	ssyncadd.s32 $0xFFFFE000  }
0xf5: {  	s25 =	sadd.s32 $0x1, s25;
	_ =	swait.ge [sflag:s24], $0x2000  }
0xf6: {  	p0 =	sne.s32 s25, s10;
	[sflag:s24] =	ssyncset.done $0x0  }
.Ltmp1:
0xf7: {  	[sflag:s24] =	ssyncadd.s32 $0xFFFFE000;
	(pc) =	sbr.rel @p0 .LBB2_1-.Ltmp1, $4  }
0xf8: {  	[hbm4b:s9+s2] =	stream.linear.scatter [tilespmem:s14], [sflag:$0x2], $0x14000, $0x38;
	[tilespmem:$0x15900] =	vst v63  }
0xf9: {  	_ =	swait.ge [sflag:s12], $0x14000  }
0xfa: {  	[sflag:s12] =	ssyncset.done $0x0  }
0xfb: {  	[sflag:s12] =	ssyncadd.s32 $0xFFFEC000  }
0xfc: {  	_ =	sfence.sel $0x180000  }
0xfd: {  	[bflag:$0x0] =	sbarrier.arrive $0xFFFF  }
0xfe: {  	_ =	strace $0x90000047  }
0xff: {  	s0 =	stileid.u32;
	[bflag:$0x2] =	sbarrier.arrive $0xFFFF  }
0x100: {  	p0 =	sne.s32 s0, $0x0;
	s0 =	rddreg [dreg:$0x2]  }
0x101: {  	s0 =	sadd.s32 @!p0 $0x100000, s0  }
0x102: {  	[sflag:s0] =	ssyncadd.tile.s32 @!p0 $0x1;
	_ =	shalt  }
.Lfunc_end2:
_tile_overlayer_lowered:
.L_overlay_start_2:
0x103: {  	(tag) =	ssettag $0x2  }
0x104: {  	s0 =	rddreg [dreg:$0x0];
	s2 =	stileid.u32  }
0x105: {  	s1 =	rddreg [dreg:$0x1];
	p0 =	sne.s32 s2, $0x0  }
0x106: {  	s3 =	rddreg [dreg:$0x2];
	[bflag:$0x3] =	sbarrier.arrive $0xFFFF;
	s2 =	simm.s32 @!p0 $0x1C02  }
0x107: {  	[timem:s3], [sflag:s2] =	dma.local @!p0 [hbm:s0], s1  }
0x108: {  	s0 =	simm.s32 @!p0 $0x2  }
0x109: {  	_ =	swait.ge @!p0 [sflag:s0], s1  }
0x10a: {  	s1 =	ssub.s32 @!p0 $0x0, s1;
	[sflag:s0] =	ssyncset.done @!p0 $0x0  }
0x10b: {  	[sflag:s0] =	ssyncadd.s32 @!p0 s1  }
0x10c: {  	[bflag:$0x3] =	sbarrier.arrive $0xFFFF  }
0x10d: {  	_ =	shalt  }

</sc_bundles>
